<compile_context>
chip_gen: v7x
topology: tpu7x:2x2x1
jax: 0.10.2.dev20260603
libtpu: 0.0.44.dev20260713+nightly
codegen_flags: <defaults>
</compile_context>

<pallas_src>
import functools

import jax
import jax.numpy as jnp
from jax import lax
from jax.experimental import pallas as pl
from jax.experimental.pallas import tpu as pltpu
from jax.experimental.pallas import tpu_sc as plsc

VOCAB = 1000000
SEQ = 200
D = 64
BATCH = 4096
NW = 32
BPW = BATCH // NW
NBUF = 4
LOOK = 2
SPLIT = 128


def _impl_body(x_hbm, tok_hbm, pos_hbm, out_hbm, idx_v, pos_v, buf_v, *sems):
    gsem = sems[:NBUF]
    wsem = sems[NBUF:]
    wid = lax.axis_index("s") * 2 + lax.axis_index("c")
    b0 = wid * BPW

    pltpu.sync_copy(x_hbm.at[pl.ds(b0, BPW), :], idx_v)
    pltpu.sync_copy(pos_hbm, pos_v)

    def issue_gather(c, b):
        pltpu.async_copy(tok_hbm.at[idx_v.at[c, pl.ds(0, SPLIT)]],
                         buf_v.at[b, pl.ds(0, SPLIT), :], gsem[b])
        pltpu.async_copy(tok_hbm.at[idx_v.at[c, pl.ds(SPLIT, SEQ - SPLIT)]],
                         buf_v.at[b, pl.ds(SPLIT, SEQ - SPLIT), :], gsem[b])

    def wait_gather(c, b):
        pltpu.make_async_copy(tok_hbm.at[idx_v.at[c, pl.ds(0, SPLIT)]],
                              buf_v.at[b, pl.ds(0, SPLIT), :], gsem[b]).wait()
        pltpu.make_async_copy(tok_hbm.at[idx_v.at[c, pl.ds(SPLIT, SEQ - SPLIT)]],
                              buf_v.at[b, pl.ds(SPLIT, SEQ - SPLIT), :],
                              gsem[b]).wait()

    def issue_write(c, b):
        pltpu.async_copy(buf_v.at[b], out_hbm.at[b0 + c, :, pl.ds(0, D)],
                         wsem[b])

    def wait_write(c, b):
        pltpu.make_async_copy(buf_v.at[b], out_hbm.at[b0 + c, :, pl.ds(0, D)],
                              wsem[b]).wait()

    def add_pos(b):
        def row(r, carry):
            for d in range(D // 16):
                sl = pl.ds(d * 16, 16)
                plsc.addupdate(buf_v.at[b, r, sl], pos_v[r, sl])
            return carry

        lax.fori_loop(0, SEQ, row, 0, unroll=4)

    for b in range(LOOK):
        issue_gather(b, b)

    def trip(t, carry):
        c0 = t * NBUF
        for b in range(NBUF):
            c = c0 + b
            nb = (b + LOOK) % NBUF
            cn = c + LOOK

            @pl.when(cn < BPW)
            def _():
                @pl.when(c >= LOOK)
                def _():
                    wait_write(c - LOOK, nb)
                issue_gather(cn, nb)

            wait_gather(c, b)
            add_pos(b)
            issue_write(c, b)
        return carry

    lax.fori_loop(0, BPW // NBUF, trip, 0)

    for c in range(BPW - LOOK, BPW):
        wait_write(c, c % NBUF)


_impl = functools.partial(
    pl.kernel,
    out_type=jax.ShapeDtypeStruct((BATCH, SEQ, 2 * D), jnp.float32),
    mesh=plsc.VectorSubcoreMesh(core_axis_name="c", subcore_axis_name="s"),
    compiler_params=pltpu.CompilerParams(use_tc_tiling_on_sc=False),
    scratch_types=[
        pltpu.VMEM((BPW, SEQ), jnp.int32),
        pltpu.VMEM((SEQ, D), jnp.float32),
        pltpu.VMEM((NBUF, SEQ, D), jnp.float32),
    ] + [pltpu.SemaphoreType.DMA] * (2 * NBUF),
)(_impl_body)


def kernel(x, token_table, pos_table):
    tokp = jnp.pad(token_table, ((0, 0), (0, D))).reshape(2 * VOCAB, D)
    out = _impl(x * 2, tokp, pos_table)
    return out[:, :, :D]

# --- scband reference (transcript-rebuilt; emitter-appended) ---
"""Pipeline reference for scband-positional-embedding-25572235280416 (READ-ONLY COPY).

The authoritative reference and input builder live on the scoring server;
editing this copy changes nothing except your own understanding.
"""

import jax, jax.numpy as jnp
import numpy as np

VOCAB = 1000000
SEQ_LEN = 200
EMBED_DIM = 64
BATCH = 4096

def setup_inputs(seed: int = 0) -> dict:
    key = jax.random.key(seed)
    k1, k2, k3 = jax.random.split(key, 3)
    x = jax.random.randint(k1, (BATCH, SEQ_LEN), 0, VOCAB, dtype=jnp.int64 if jax.config.jax_enable_x64 else jnp.int32).astype(jnp.int32)
    token_table = jax.random.normal(k2, (VOCAB, EMBED_DIM), dtype=jnp.float32) * 0.02
    pos_table = jax.random.normal(k3, (SEQ_LEN, EMBED_DIM), dtype=jnp.float32) * 0.02
    return {"x": x, "token_table": token_table, "pos_table": pos_table}

def reference(x, token_table, pos_table):
    # token embedding lookup: gather rows from the table
    tok = jnp.take(token_table, x, axis=0)            # [B, S, D]
    positions = jnp.arange(SEQ_LEN)
    pos = jnp.take(pos_table, positions, axis=0)       # [S, D]
    return tok + pos[None, :, :]

if __name__ == "__main__":
    import jax
    _d = setup_inputs()
    print(jax.jit(kernel)(*tuple(_d.values())))

</pallas_src>

<mosaic_0001>
#map = affine_map<(d0, d1) -> (0, 0)>
#map1 = affine_map<(d0, d1) -> (0, 0, 0)>
module attributes {stable_mosaic.version = 14 : i64} {
  func.func @_impl_body(%arg0: i32, %arg1: i32, %arg2: memref<4096x200xi32, #tpu.memory_space<hbm>>, %arg3: memref<2000000x64xf32, #tpu.memory_space<hbm>>, %arg4: memref<200x64xf32, #tpu.memory_space<hbm>>, %arg5: memref<4096x200x128xf32, #tpu.memory_space<hbm>>, %arg6: memref<128x200xi32, #tpu.memory_space<vmem>>, %arg7: memref<200x64xf32, #tpu.memory_space<vmem>>, %arg8: memref<4x200x64xf32, #tpu.memory_space<vmem>>, %arg9: memref<!tpu.dma_semaphore, #tpu.memory_space<semaphore_mem>>, %arg10: memref<!tpu.dma_semaphore, #tpu.memory_space<semaphore_mem>>, %arg11: memref<!tpu.dma_semaphore, #tpu.memory_space<semaphore_mem>>, %arg12: memref<!tpu.dma_semaphore, #tpu.memory_space<semaphore_mem>>, %arg13: memref<!tpu.dma_semaphore, #tpu.memory_space<semaphore_mem>>, %arg14: memref<!tpu.dma_semaphore, #tpu.memory_space<semaphore_mem>>, %arg15: memref<!tpu.dma_semaphore, #tpu.memory_space<semaphore_mem>>, %arg16: memref<!tpu.dma_semaphore, #tpu.memory_space<semaphore_mem>>) attributes {dimension_semantics = [#tpu.dimension_semantics<core_parallel>, #tpu.dimension_semantics<subcore_parallel>], iteration_bounds = array<i64: 2, 16>, scalar_prefetch = 0 : i64, scratch_operands = 11 : i64, tpu.core_type = #tpu.core_type<sc_vector_subcore>, window_params = [{transform_indices = #map}, {transform_indices = #map}, {transform_indices = #map}, {transform_indices = #map1}]} {
    %mul3A = arith.constant 2 : i32
    %mul3A_0 = arith.muli %arg1, %mul3A : i32
    %add3A = arith.addi %mul3A_0, %arg0 : i32
    %mul3A_1 = arith.constant 128 : i32
    %mul3A_2 = arith.muli %add3A, %mul3A_1 : i32
    "tpu.region"() ({
      %run_scoped3A = tpu.sem_alloc : memref<!tpu.dma_semaphore, #tpu.memory_space<semaphore_mem>>
      %dma_start3A_92 = arith.constant 0 : i32
      %dma_start3A_93 = tpu.memref_slice %arg2[%mul3A_2, %dma_start3A_92] : memref<4096x200xi32, #tpu.memory_space<hbm>> -> memref<128x200xi32, #tpu.memory_space<hbm>>
      %dma_start3A_94 = arith.constant 0 : i32
      %dma_start3A_95 = tpu.memref_slice %arg2[%mul3A_2, %dma_start3A_94] : memref<4096x200xi32, #tpu.memory_space<hbm>> -> memref<128x200xi32, #tpu.memory_space<hbm>>
      tpu.enqueue_dma source(%dma_start3A_95 : memref<128x200xi32, #tpu.memory_space<hbm>>) target(%arg6 : memref<128x200xi32, #tpu.memory_space<vmem>>) target_semaphore(%run_scoped3A : memref<!tpu.dma_semaphore, #tpu.memory_space<semaphore_mem>>)
      %dma_wait3A_96 = arith.constant 0 : i32
      %dma_wait3A_97 = tpu.memref_slice %arg2[%mul3A_2, %dma_wait3A_96] : memref<4096x200xi32, #tpu.memory_space<hbm>> -> memref<128x200xi32, #tpu.memory_space<hbm>>
      %dma_wait3A_98 = arith.constant 0 : i32
      %dma_wait3A_99 = tpu.memref_slice %arg2[%mul3A_2, %dma_wait3A_98] : memref<4096x200xi32, #tpu.memory_space<hbm>> -> memref<128x200xi32, #tpu.memory_space<hbm>>
      tpu.wait_dma2 semaphore(%run_scoped3A : memref<!tpu.dma_semaphore, #tpu.memory_space<semaphore_mem>>) src(%dma_wait3A_99 : memref<128x200xi32, #tpu.memory_space<hbm>>) dst(%arg6 : memref<128x200xi32, #tpu.memory_space<vmem>>)
      tpu.yield
    }) : () -> ()
    "tpu.region"() ({
      %run_scoped3A = tpu.sem_alloc : memref<!tpu.dma_semaphore, #tpu.memory_space<semaphore_mem>>
      tpu.enqueue_dma source(%arg4 : memref<200x64xf32, #tpu.memory_space<hbm>>) target(%arg7 : memref<200x64xf32, #tpu.memory_space<vmem>>) target_semaphore(%run_scoped3A : memref<!tpu.dma_semaphore, #tpu.memory_space<semaphore_mem>>)
      tpu.wait_dma2 semaphore(%run_scoped3A : memref<!tpu.dma_semaphore, #tpu.memory_space<semaphore_mem>>) src(%arg4 : memref<200x64xf32, #tpu.memory_space<hbm>>) dst(%arg7 : memref<200x64xf32, #tpu.memory_space<vmem>>)
      tpu.yield
    }) : () -> ()
    %dma_start3A = arith.constant 0 : i32
    %dma_start3A_3 = arith.constant 0 : i32
    %dma_start3A_4 = arith.constant 0 : i32
    %dma_start3A_5 = arith.constant 0 : i32
    %dma_start3A_6 = tpu.memref_slice %arg8[%dma_start3A_3, %dma_start3A_4, %dma_start3A_5] : memref<4x200x64xf32, #tpu.memory_space<vmem>> -> memref<1x128x64xf32, #tpu.memory_space<vmem>>
    %dma_start3A_7 = tpu.memref_squeeze %dma_start3A_6 : memref<1x128x64xf32, #tpu.memory_space<vmem>> -> memref<128x64xf32, #tpu.memory_space<vmem>>
    %dma_start3A_8 = arith.constant 0 : i32
    %dma_start3A_9 = tpu.memref_slice %arg6[%dma_start3A, %dma_start3A_8] : memref<128x200xi32, #tpu.memory_space<vmem>> -> memref<1x128xi32, #tpu.memory_space<vmem>>
    %dma_start3A_10 = tpu.memref_squeeze %dma_start3A_9 : memref<1x128xi32, #tpu.memory_space<vmem>> -> memref<128xi32, #tpu.memory_space<vmem>>
    %dma_start3A_11 = arith.constant 0 : i32
    %dma_start3A_12 = arith.constant 0 : i32
    %dma_start3A_13 = tpu.memref_slice %arg3[%dma_start3A_11, %dma_start3A_12] : memref<2000000x64xf32, #tpu.memory_space<hbm>> -> memref<2000000x64xf32, #tpu.memory_space<hbm>>
    tpu.enqueue_indirect_dma source(%dma_start3A_13 : memref<2000000x64xf32, #tpu.memory_space<hbm>>) target(%dma_start3A_7 : memref<128x64xf32, #tpu.memory_space<vmem>>) offsets(%dma_start3A_10 : memref<128xi32, #tpu.memory_space<vmem>>) semaphore(%arg9 : memref<!tpu.dma_semaphore, #tpu.memory_space<semaphore_mem>>)
    %dma_start3A_14 = arith.constant 0 : i32
    %dma_start3A_15 = arith.constant 0 : i32
    %dma_start3A_16 = arith.constant 128 : i32
    %dma_start3A_17 = arith.constant 0 : i32
    %dma_start3A_18 = tpu.memref_slice %arg8[%dma_start3A_15, %dma_start3A_16, %dma_start3A_17] : memref<4x200x64xf32, #tpu.memory_space<vmem>> -> memref<1x72x64xf32, #tpu.memory_space<vmem>>
    %dma_start3A_19 = tpu.memref_squeeze %dma_start3A_18 : memref<1x72x64xf32, #tpu.memory_space<vmem>> -> memref<72x64xf32, #tpu.memory_space<vmem>>
    %dma_start3A_20 = arith.constant 128 : i32
    %dma_start3A_21 = tpu.memref_slice %arg6[%dma_start3A_14, %dma_start3A_20] : memref<128x200xi32, #tpu.memory_space<vmem>> -> memref<1x72xi32, #tpu.memory_space<vmem>>
    %dma_start3A_22 = tpu.memref_squeeze %dma_start3A_21 : memref<1x72xi32, #tpu.memory_space<vmem>> -> memref<72xi32, #tpu.memory_space<vmem>>
    %dma_start3A_23 = arith.constant 0 : i32
    %dma_start3A_24 = arith.constant 0 : i32
    %dma_start3A_25 = tpu.memref_slice %arg3[%dma_start3A_23, %dma_start3A_24] : memref<2000000x64xf32, #tpu.memory_space<hbm>> -> memref<2000000x64xf32, #tpu.memory_space<hbm>>
    tpu.enqueue_indirect_dma source(%dma_start3A_25 : memref<2000000x64xf32, #tpu.memory_space<hbm>>) target(%dma_start3A_19 : memref<72x64xf32, #tpu.memory_space<vmem>>) offsets(%dma_start3A_22 : memref<72xi32, #tpu.memory_space<vmem>>) semaphore(%arg9 : memref<!tpu.dma_semaphore, #tpu.memory_space<semaphore_mem>>)
    %dma_start3A_26 = arith.constant 1 : i32
    %dma_start3A_27 = arith.constant 1 : i32
    %dma_start3A_28 = arith.constant 0 : i32
    %dma_start3A_29 = arith.constant 0 : i32
    %dma_start3A_30 = tpu.memref_slice %arg8[%dma_start3A_27, %dma_start3A_28, %dma_start3A_29] : memref<4x200x64xf32, #tpu.memory_space<vmem>> -> memref<1x128x64xf32, #tpu.memory_space<vmem>>
    %dma_start3A_31 = tpu.memref_squeeze %dma_start3A_30 : memref<1x128x64xf32, #tpu.memory_space<vmem>> -> memref<128x64xf32, #tpu.memory_space<vmem>>
    %dma_start3A_32 = arith.constant 0 : i32
    %dma_start3A_33 = tpu.memref_slice %arg6[%dma_start3A_26, %dma_start3A_32] : memref<128x200xi32, #tpu.memory_space<vmem>> -> memref<1x128xi32, #tpu.memory_space<vmem>>
    %dma_start3A_34 = tpu.memref_squeeze %dma_start3A_33 : memref<1x128xi32, #tpu.memory_space<vmem>> -> memref<128xi32, #tpu.memory_space<vmem>>
    %dma_start3A_35 = arith.constant 0 : i32
    %dma_start3A_36 = arith.constant 0 : i32
    %dma_start3A_37 = tpu.memref_slice %arg3[%dma_start3A_35, %dma_start3A_36] : memref<2000000x64xf32, #tpu.memory_space<hbm>> -> memref<2000000x64xf32, #tpu.memory_space<hbm>>
    tpu.enqueue_indirect_dma source(%dma_start3A_37 : memref<2000000x64xf32, #tpu.memory_space<hbm>>) target(%dma_start3A_31 : memref<128x64xf32, #tpu.memory_space<vmem>>) offsets(%dma_start3A_34 : memref<128xi32, #tpu.memory_space<vmem>>) semaphore(%arg10 : memref<!tpu.dma_semaphore, #tpu.memory_space<semaphore_mem>>)
    %dma_start3A_38 = arith.constant 1 : i32
    %dma_start3A_39 = arith.constant 1 : i32
    %dma_start3A_40 = arith.constant 128 : i32
    %dma_start3A_41 = arith.constant 0 : i32
    %dma_start3A_42 = tpu.memref_slice %arg8[%dma_start3A_39, %dma_start3A_40, %dma_start3A_41] : memref<4x200x64xf32, #tpu.memory_space<vmem>> -> memref<1x72x64xf32, #tpu.memory_space<vmem>>
    %dma_start3A_43 = tpu.memref_squeeze %dma_start3A_42 : memref<1x72x64xf32, #tpu.memory_space<vmem>> -> memref<72x64xf32, #tpu.memory_space<vmem>>
    %dma_start3A_44 = arith.constant 128 : i32
    %dma_start3A_45 = tpu.memref_slice %arg6[%dma_start3A_38, %dma_start3A_44] : memref<128x200xi32, #tpu.memory_space<vmem>> -> memref<1x72xi32, #tpu.memory_space<vmem>>
    %dma_start3A_46 = tpu.memref_squeeze %dma_start3A_45 : memref<1x72xi32, #tpu.memory_space<vmem>> -> memref<72xi32, #tpu.memory_space<vmem>>
    %dma_start3A_47 = arith.constant 0 : i32
    %dma_start3A_48 = arith.constant 0 : i32
    %dma_start3A_49 = tpu.memref_slice %arg3[%dma_start3A_47, %dma_start3A_48] : memref<2000000x64xf32, #tpu.memory_space<hbm>> -> memref<2000000x64xf32, #tpu.memory_space<hbm>>
    tpu.enqueue_indirect_dma source(%dma_start3A_49 : memref<2000000x64xf32, #tpu.memory_space<hbm>>) target(%dma_start3A_43 : memref<72x64xf32, #tpu.memory_space<vmem>>) offsets(%dma_start3A_46 : memref<72xi32, #tpu.memory_space<vmem>>) semaphore(%arg10 : memref<!tpu.dma_semaphore, #tpu.memory_space<semaphore_mem>>)
    %scan3A = arith.constant 0 : i32
    %scan3A_50 = arith.constant 0 : i32
    %scan3A_51 = arith.constant 32 : i32
    %scan3A_52 = arith.addi %scan3A_50, %scan3A_51 : i32
    %scan3A_53 = arith.constant 1 : i32
    scf.for %scan3A_92 = %scan3A_50 to %scan3A_52 step %scan3A_53  : i32 {
      %mul3A_93 = arith.constant 4 : i32
      %mul3A_94 = arith.muli %scan3A_92, %mul3A_93 : i32
      %add3A_95 = arith.constant 0 : i32
      %add3A_96 = arith.addi %mul3A_94, %add3A_95 : i32
      %add3A_97 = arith.constant 2 : i32
      %add3A_98 = arith.addi %add3A_96, %add3A_97 : i32
      %lt3A = arith.constant 128 : i32
      %lt3A_99 = arith.cmpi slt, %add3A_98, %lt3A : i32
      %convert_element_type3A = arith.extui %lt3A_99 : i1 to i32
      %cond3A = arith.constant 0 : i32
      %cond3A_100 = arith.cmpi ne, %convert_element_type3A, %cond3A : i32
      scf.if %cond3A_100 {
        %ge3A = arith.constant 2 : i32
        %ge3A_312 = arith.cmpi sge, %add3A_96, %ge3A : i32
        %convert_element_type3A_313 = arith.extui %ge3A_312 : i1 to i32
        %cond3A_314 = arith.constant 0 : i32
        %cond3A_315 = arith.cmpi ne, %convert_element_type3A_313, %cond3A_314 : i32
        scf.if %cond3A_315 {
          %sub3A = arith.constant 2 : i32
          %sub3A_338 = arith.subi %add3A_96, %sub3A : i32
          %add3A_339 = arith.addi %mul3A_2, %sub3A_338 : i32
          %dma_wait3A_340 = arith.constant 2 : i32
          %dma_wait3A_341 = arith.constant 0 : i32
          %dma_wait3A_342 = arith.constant 0 : i32
          %dma_wait3A_343 = tpu.memref_slice %arg8[%dma_wait3A_340, %dma_wait3A_341, %dma_wait3A_342] : memref<4x200x64xf32, #tpu.memory_space<vmem>> -> memref<1x200x64xf32, #tpu.memory_space<vmem>>
          %dma_wait3A_344 = tpu.memref_squeeze %dma_wait3A_343 : memref<1x200x64xf32, #tpu.memory_space<vmem>> -> memref<200x64xf32, #tpu.memory_space<vmem>>
          %dma_wait3A_345 = arith.constant 0 : i32
          %dma_wait3A_346 = arith.constant 0 : i32
          %dma_wait3A_347 = tpu.memref_slice %arg5[%add3A_339, %dma_wait3A_345, %dma_wait3A_346] : memref<4096x200x128xf32, #tpu.memory_space<hbm>> -> memref<1x200x64xf32, #tpu.memory_space<hbm>>
          %dma_wait3A_348 = tpu.memref_squeeze %dma_wait3A_347 : memref<1x200x64xf32, #tpu.memory_space<hbm>> -> memref<200x64xf32, #tpu.memory_space<hbm>>
          %dma_wait3A_349 = arith.constant 0 : i32
          %dma_wait3A_350 = arith.constant 0 : i32
          %dma_wait3A_351 = tpu.memref_slice %arg5[%add3A_339, %dma_wait3A_349, %dma_wait3A_350] : memref<4096x200x128xf32, #tpu.memory_space<hbm>> -> memref<1x200x64xf32, #tpu.memory_space<hbm>>
          %dma_wait3A_352 = tpu.memref_squeeze %dma_wait3A_351 : memref<1x200x64xf32, #tpu.memory_space<hbm>> -> memref<200x64xf32, #tpu.memory_space<hbm>>
          %dma_wait3A_353 = arith.constant 0 : i32
          %dma_wait3A_354 = arith.constant 0 : i32
          %dma_wait3A_355 = tpu.memref_slice %arg8[%dma_wait3A_340, %dma_wait3A_353, %dma_wait3A_354] : memref<4x200x64xf32, #tpu.memory_space<vmem>> -> memref<1x200x64xf32, #tpu.memory_space<vmem>>
          %dma_wait3A_356 = tpu.memref_squeeze %dma_wait3A_355 : memref<1x200x64xf32, #tpu.memory_space<vmem>> -> memref<200x64xf32, #tpu.memory_space<vmem>>
          tpu.wait_dma2 semaphore(%arg15 : memref<!tpu.dma_semaphore, #tpu.memory_space<semaphore_mem>>) src(%dma_wait3A_356 : memref<200x64xf32, #tpu.memory_space<vmem>>) dst(%dma_wait3A_352 : memref<200x64xf32, #tpu.memory_space<hbm>>)
        } else {
        }
        %dma_start3A_316 = arith.constant 2 : i32
        %dma_start3A_317 = arith.constant 0 : i32
        %dma_start3A_318 = arith.constant 0 : i32
        %dma_start3A_319 = tpu.memref_slice %arg8[%dma_start3A_316, %dma_start3A_317, %dma_start3A_318] : memref<4x200x64xf32, #tpu.memory_space<vmem>> -> memref<1x128x64xf32, #tpu.memory_space<vmem>>
        %dma_start3A_320 = tpu.memref_squeeze %dma_start3A_319 : memref<1x128x64xf32, #tpu.memory_space<vmem>> -> memref<128x64xf32, #tpu.memory_space<vmem>>
        %dma_start3A_321 = arith.constant 0 : i32
        %dma_start3A_322 = tpu.memref_slice %arg6[%add3A_98, %dma_start3A_321] : memref<128x200xi32, #tpu.memory_space<vmem>> -> memref<1x128xi32, #tpu.memory_space<vmem>>
        %dma_start3A_323 = tpu.memref_squeeze %dma_start3A_322 : memref<1x128xi32, #tpu.memory_space<vmem>> -> memref<128xi32, #tpu.memory_space<vmem>>
        %dma_start3A_324 = arith.constant 0 : i32
        %dma_start3A_325 = arith.constant 0 : i32
        %dma_start3A_326 = tpu.memref_slice %arg3[%dma_start3A_324, %dma_start3A_325] : memref<2000000x64xf32, #tpu.memory_space<hbm>> -> memref<2000000x64xf32, #tpu.memory_space<hbm>>
        tpu.enqueue_indirect_dma source(%dma_start3A_326 : memref<2000000x64xf32, #tpu.memory_space<hbm>>) target(%dma_start3A_320 : memref<128x64xf32, #tpu.memory_space<vmem>>) offsets(%dma_start3A_323 : memref<128xi32, #tpu.memory_space<vmem>>) semaphore(%arg11 : memref<!tpu.dma_semaphore, #tpu.memory_space<semaphore_mem>>)
        %dma_start3A_327 = arith.constant 2 : i32
        %dma_start3A_328 = arith.constant 128 : i32
        %dma_start3A_329 = arith.constant 0 : i32
        %dma_start3A_330 = tpu.memref_slice %arg8[%dma_start3A_327, %dma_start3A_328, %dma_start3A_329] : memref<4x200x64xf32, #tpu.memory_space<vmem>> -> memref<1x72x64xf32, #tpu.memory_space<vmem>>
        %dma_start3A_331 = tpu.memref_squeeze %dma_start3A_330 : memref<1x72x64xf32, #tpu.memory_space<vmem>> -> memref<72x64xf32, #tpu.memory_space<vmem>>
        %dma_start3A_332 = arith.constant 128 : i32
        %dma_start3A_333 = tpu.memref_slice %arg6[%add3A_98, %dma_start3A_332] : memref<128x200xi32, #tpu.memory_space<vmem>> -> memref<1x72xi32, #tpu.memory_space<vmem>>
        %dma_start3A_334 = tpu.memref_squeeze %dma_start3A_333 : memref<1x72xi32, #tpu.memory_space<vmem>> -> memref<72xi32, #tpu.memory_space<vmem>>
        %dma_start3A_335 = arith.constant 0 : i32
        %dma_start3A_336 = arith.constant 0 : i32
        %dma_start3A_337 = tpu.memref_slice %arg3[%dma_start3A_335, %dma_start3A_336] : memref<2000000x64xf32, #tpu.memory_space<hbm>> -> memref<2000000x64xf32, #tpu.memory_space<hbm>>
        tpu.enqueue_indirect_dma source(%dma_start3A_337 : memref<2000000x64xf32, #tpu.memory_space<hbm>>) target(%dma_start3A_331 : memref<72x64xf32, #tpu.memory_space<vmem>>) offsets(%dma_start3A_334 : memref<72xi32, #tpu.memory_space<vmem>>) semaphore(%arg11 : memref<!tpu.dma_semaphore, #tpu.memory_space<semaphore_mem>>)
      } else {
      }
      %dma_wait3A_101 = arith.constant 0 : i32
      %dma_wait3A_102 = arith.constant 0 : i32
      %dma_wait3A_103 = arith.constant 0 : i32
      %dma_wait3A_104 = tpu.memref_slice %arg8[%dma_wait3A_101, %dma_wait3A_102, %dma_wait3A_103] : memref<4x200x64xf32, #tpu.memory_space<vmem>> -> memref<1x128x64xf32, #tpu.memory_space<vmem>>
      %dma_wait3A_105 = tpu.memref_squeeze %dma_wait3A_104 : memref<1x128x64xf32, #tpu.memory_space<vmem>> -> memref<128x64xf32, #tpu.memory_space<vmem>>
      %dma_wait3A_106 = arith.constant 0 : i32
      %dma_wait3A_107 = tpu.memref_slice %arg6[%add3A_96, %dma_wait3A_106] : memref<128x200xi32, #tpu.memory_space<vmem>> -> memref<1x128xi32, #tpu.memory_space<vmem>>
      %dma_wait3A_108 = tpu.memref_squeeze %dma_wait3A_107 : memref<1x128xi32, #tpu.memory_space<vmem>> -> memref<128xi32, #tpu.memory_space<vmem>>
      %dma_wait3A_109 = arith.constant 0 : i32
      %dma_wait3A_110 = arith.constant 0 : i32
      %dma_wait3A_111 = tpu.memref_slice %arg3[%dma_wait3A_109, %dma_wait3A_110] : memref<2000000x64xf32, #tpu.memory_space<hbm>> -> memref<2000000x64xf32, #tpu.memory_space<hbm>>
      tpu.wait_indirect_dma semaphore(%arg9 : memref<!tpu.dma_semaphore, #tpu.memory_space<semaphore_mem>>) src(%dma_wait3A_111 : memref<2000000x64xf32, #tpu.memory_space<hbm>>) dst(%dma_wait3A_105 : memref<128x64xf32, #tpu.memory_space<vmem>>)
      %dma_wait3A_112 = arith.constant 0 : i32
      %dma_wait3A_113 = arith.constant 128 : i32
      %dma_wait3A_114 = arith.constant 0 : i32
      %dma_wait3A_115 = tpu.memref_slice %arg8[%dma_wait3A_112, %dma_wait3A_113, %dma_wait3A_114] : memref<4x200x64xf32, #tpu.memory_space<vmem>> -> memref<1x72x64xf32, #tpu.memory_space<vmem>>
      %dma_wait3A_116 = tpu.memref_squeeze %dma_wait3A_115 : memref<1x72x64xf32, #tpu.memory_space<vmem>> -> memref<72x64xf32, #tpu.memory_space<vmem>>
      %dma_wait3A_117 = arith.constant 128 : i32
      %dma_wait3A_118 = tpu.memref_slice %arg6[%add3A_96, %dma_wait3A_117] : memref<128x200xi32, #tpu.memory_space<vmem>> -> memref<1x72xi32, #tpu.memory_space<vmem>>
      %dma_wait3A_119 = tpu.memref_squeeze %dma_wait3A_118 : memref<1x72xi32, #tpu.memory_space<vmem>> -> memref<72xi32, #tpu.memory_space<vmem>>
      %dma_wait3A_120 = arith.constant 0 : i32
      %dma_wait3A_121 = arith.constant 0 : i32
      %dma_wait3A_122 = tpu.memref_slice %arg3[%dma_wait3A_120, %dma_wait3A_121] : memref<2000000x64xf32, #tpu.memory_space<hbm>> -> memref<2000000x64xf32, #tpu.memory_space<hbm>>
      tpu.wait_indirect_dma semaphore(%arg9 : memref<!tpu.dma_semaphore, #tpu.memory_space<semaphore_mem>>) src(%dma_wait3A_122 : memref<2000000x64xf32, #tpu.memory_space<hbm>>) dst(%dma_wait3A_116 : memref<72x64xf32, #tpu.memory_space<vmem>>)
      %scan3A_123 = arith.constant 0 : i32
      %scan3A_124 = arith.constant 0 : i32
      %scan3A_125 = arith.constant 200 : i32
      %scan3A_126 = arith.addi %scan3A_124, %scan3A_125 : i32
      %scan3A_127 = arith.constant 4 : i32
      scf.for %scan3A_312 = %scan3A_124 to %scan3A_126 step %scan3A_127  : i32 {
        %get3A = arith.index_cast %scan3A_312 : i32 to index
        %get3A_313 = arith.constant 0 : index
        %get3A_314 = tpu.vector_load %arg7[%get3A, %get3A_313] {strides = array<i32>} : memref<200x64xf32, #tpu.memory_space<vmem>>, vector<1x16xf32>,
        %get3A_315 = vector.shape_cast %get3A_314 : vector<1x16xf32> to vector<16xf32>
        %swap3A = arith.constant 0 : i32
        %swap3A_316 = arith.index_cast %swap3A : i32 to index
        %swap3A_317 = arith.index_cast %scan3A_312 : i32 to index
        %swap3A_318 = arith.constant 0 : index
        %swap3A_319 = tpu.vector_load %arg8[%swap3A_316, %swap3A_317, %swap3A_318] {strides = array<i32>} : memref<4x200x64xf32, #tpu.memory_space<vmem>>, vector<1x1x16xf32>,
        %swap3A_320 = vector.shape_cast %swap3A_319 : vector<1x1x16xf32> to vector<16xf32>
        %swap3A_321 = vector.shape_cast %get3A_315 : vector<16xf32> to vector<1x1x16xf32>
        tpu.vector_store %arg8[%swap3A_316, %swap3A_317, %swap3A_318], %swap3A_321 {add = true, strides = array<i32>} : memref<4x200x64xf32, #tpu.memory_space<vmem>>, vector<1x1x16xf32>,
        %get3A_322 = arith.index_cast %scan3A_312 : i32 to index
        %get3A_323 = arith.constant 16 : index
        %get3A_324 = tpu.vector_load %arg7[%get3A_322, %get3A_323] {strides = array<i32>} : memref<200x64xf32, #tpu.memory_space<vmem>>, vector<1x16xf32>,
        %get3A_325 = vector.shape_cast %get3A_324 : vector<1x16xf32> to vector<16xf32>
        %swap3A_326 = arith.constant 0 : i32
        %swap3A_327 = arith.index_cast %swap3A_326 : i32 to index
        %swap3A_328 = arith.index_cast %scan3A_312 : i32 to index
        %swap3A_329 = arith.constant 16 : index
        %swap3A_330 = tpu.vector_load %arg8[%swap3A_327, %swap3A_328, %swap3A_329] {strides = array<i32>} : memref<4x200x64xf32, #tpu.memory_space<vmem>>, vector<1x1x16xf32>,
        %swap3A_331 = vector.shape_cast %swap3A_330 : vector<1x1x16xf32> to vector<16xf32>
        %swap3A_332 = vector.shape_cast %get3A_325 : vector<16xf32> to vector<1x1x16xf32>
        tpu.vector_store %arg8[%swap3A_327, %swap3A_328, %swap3A_329], %swap3A_332 {add = true, strides = array<i32>} : memref<4x200x64xf32, #tpu.memory_space<vmem>>, vector<1x1x16xf32>,
        %get3A_333 = arith.index_cast %scan3A_312 : i32 to index
        %get3A_334 = arith.constant 32 : index
        %get3A_335 = tpu.vector_load %arg7[%get3A_333, %get3A_334] {strides = array<i32>} : memref<200x64xf32, #tpu.memory_space<vmem>>, vector<1x16xf32>,
        %get3A_336 = vector.shape_cast %get3A_335 : vector<1x16xf32> to vector<16xf32>
        %swap3A_337 = arith.constant 0 : i32
        %swap3A_338 = arith.index_cast %swap3A_337 : i32 to index
        %swap3A_339 = arith.index_cast %scan3A_312 : i32 to index
        %swap3A_340 = arith.constant 32 : index
        %swap3A_341 = tpu.vector_load %arg8[%swap3A_338, %swap3A_339, %swap3A_340] {strides = array<i32>} : memref<4x200x64xf32, #tpu.memory_space<vmem>>, vector<1x1x16xf32>,
        %swap3A_342 = vector.shape_cast %swap3A_341 : vector<1x1x16xf32> to vector<16xf32>
        %swap3A_343 = vector.shape_cast %get3A_336 : vector<16xf32> to vector<1x1x16xf32>
        tpu.vector_store %arg8[%swap3A_338, %swap3A_339, %swap3A_340], %swap3A_343 {add = true, strides = array<i32>} : memref<4x200x64xf32, #tpu.memory_space<vmem>>, vector<1x1x16xf32>,
        %get3A_344 = arith.index_cast %scan3A_312 : i32 to index
        %get3A_345 = arith.constant 48 : index
        %get3A_346 = tpu.vector_load %arg7[%get3A_344, %get3A_345] {strides = array<i32>} : memref<200x64xf32, #tpu.memory_space<vmem>>, vector<1x16xf32>,
        %get3A_347 = vector.shape_cast %get3A_346 : vector<1x16xf32> to vector<16xf32>
        %swap3A_348 = arith.constant 0 : i32
        %swap3A_349 = arith.index_cast %swap3A_348 : i32 to index
        %swap3A_350 = arith.index_cast %scan3A_312 : i32 to index
        %swap3A_351 = arith.constant 48 : index
        %swap3A_352 = tpu.vector_load %arg8[%swap3A_349, %swap3A_350, %swap3A_351] {strides = array<i32>} : memref<4x200x64xf32, #tpu.memory_space<vmem>>, vector<1x1x16xf32>,
        %swap3A_353 = vector.shape_cast %swap3A_352 : vector<1x1x16xf32> to vector<16xf32>
        %swap3A_354 = vector.shape_cast %get3A_347 : vector<16xf32> to vector<1x1x16xf32>
        tpu.vector_store %arg8[%swap3A_349, %swap3A_350, %swap3A_351], %swap3A_354 {add = true, strides = array<i32>} : memref<4x200x64xf32, #tpu.memory_space<vmem>>, vector<1x1x16xf32>,
        %scan3A_355 = arith.constant 1 : i32
        %scan3A_356 = arith.addi %scan3A_312, %scan3A_355 : i32
        %get3A_357 = arith.index_cast %scan3A_356 : i32 to index
        %get3A_358 = arith.constant 0 : index
        %get3A_359 = tpu.vector_load %arg7[%get3A_357, %get3A_358] {strides = array<i32>} : memref<200x64xf32, #tpu.memory_space<vmem>>, vector<1x16xf32>,
        %get3A_360 = vector.shape_cast %get3A_359 : vector<1x16xf32> to vector<16xf32>
        %swap3A_361 = arith.constant 0 : i32
        %swap3A_362 = arith.index_cast %swap3A_361 : i32 to index
        %swap3A_363 = arith.index_cast %scan3A_356 : i32 to index
        %swap3A_364 = arith.constant 0 : index
        %swap3A_365 = tpu.vector_load %arg8[%swap3A_362, %swap3A_363, %swap3A_364] {strides = array<i32>} : memref<4x200x64xf32, #tpu.memory_space<vmem>>, vector<1x1x16xf32>,
        %swap3A_366 = vector.shape_cast %swap3A_365 : vector<1x1x16xf32> to vector<16xf32>
        %swap3A_367 = vector.shape_cast %get3A_360 : vector<16xf32> to vector<1x1x16xf32>
        tpu.vector_store %arg8[%swap3A_362, %swap3A_363, %swap3A_364], %swap3A_367 {add = true, strides = array<i32>} : memref<4x200x64xf32, #tpu.memory_space<vmem>>, vector<1x1x16xf32>,
        %get3A_368 = arith.index_cast %scan3A_356 : i32 to index
        %get3A_369 = arith.constant 16 : index
        %get3A_370 = tpu.vector_load %arg7[%get3A_368, %get3A_369] {strides = array<i32>} : memref<200x64xf32, #tpu.memory_space<vmem>>, vector<1x16xf32>,
        %get3A_371 = vector.shape_cast %get3A_370 : vector<1x16xf32> to vector<16xf32>
        %swap3A_372 = arith.constant 0 : i32
        %swap3A_373 = arith.index_cast %swap3A_372 : i32 to index
        %swap3A_374 = arith.index_cast %scan3A_356 : i32 to index
        %swap3A_375 = arith.constant 16 : index
        %swap3A_376 = tpu.vector_load %arg8[%swap3A_373, %swap3A_374, %swap3A_375] {strides = array<i32>} : memref<4x200x64xf32, #tpu.memory_space<vmem>>, vector<1x1x16xf32>,
        %swap3A_377 = vector.shape_cast %swap3A_376 : vector<1x1x16xf32> to vector<16xf32>
        %swap3A_378 = vector.shape_cast %get3A_371 : vector<16xf32> to vector<1x1x16xf32>
        tpu.vector_store %arg8[%swap3A_373, %swap3A_374, %swap3A_375], %swap3A_378 {add = true, strides = array<i32>} : memref<4x200x64xf32, #tpu.memory_space<vmem>>, vector<1x1x16xf32>,
        %get3A_379 = arith.index_cast %scan3A_356 : i32 to index
        %get3A_380 = arith.constant 32 : index
        %get3A_381 = tpu.vector_load %arg7[%get3A_379, %get3A_380] {strides = array<i32>} : memref<200x64xf32, #tpu.memory_space<vmem>>, vector<1x16xf32>,
        %get3A_382 = vector.shape_cast %get3A_381 : vector<1x16xf32> to vector<16xf32>
        %swap3A_383 = arith.constant 0 : i32
        %swap3A_384 = arith.index_cast %swap3A_383 : i32 to index
        %swap3A_385 = arith.index_cast %scan3A_356 : i32 to index
        %swap3A_386 = arith.constant 32 : index
        %swap3A_387 = tpu.vector_load %arg8[%swap3A_384, %swap3A_385, %swap3A_386] {strides = array<i32>} : memref<4x200x64xf32, #tpu.memory_space<vmem>>, vector<1x1x16xf32>,
        %swap3A_388 = vector.shape_cast %swap3A_387 : vector<1x1x16xf32> to vector<16xf32>
        %swap3A_389 = vector.shape_cast %get3A_382 : vector<16xf32> to vector<1x1x16xf32>
        tpu.vector_store %arg8[%swap3A_384, %swap3A_385, %swap3A_386], %swap3A_389 {add = true, strides = array<i32>} : memref<4x200x64xf32, #tpu.memory_space<vmem>>, vector<1x1x16xf32>,
        %get3A_390 = arith.index_cast %scan3A_356 : i32 to index
        %get3A_391 = arith.constant 48 : index
        %get3A_392 = tpu.vector_load %arg7[%get3A_390, %get3A_391] {strides = array<i32>} : memref<200x64xf32, #tpu.memory_space<vmem>>, vector<1x16xf32>,
        %get3A_393 = vector.shape_cast %get3A_392 : vector<1x16xf32> to vector<16xf32>
        %swap3A_394 = arith.constant 0 : i32
        %swap3A_395 = arith.index_cast %swap3A_394 : i32 to index
        %swap3A_396 = arith.index_cast %scan3A_356 : i32 to index
        %swap3A_397 = arith.constant 48 : index
        %swap3A_398 = tpu.vector_load %arg8[%swap3A_395, %swap3A_396, %swap3A_397] {strides = array<i32>} : memref<4x200x64xf32, #tpu.memory_space<vmem>>, vector<1x1x16xf32>,
        %swap3A_399 = vector.shape_cast %swap3A_398 : vector<1x1x16xf32> to vector<16xf32>
        %swap3A_400 = vector.shape_cast %get3A_393 : vector<16xf32> to vector<1x1x16xf32>
        tpu.vector_store %arg8[%swap3A_395, %swap3A_396, %swap3A_397], %swap3A_400 {add = true, strides = array<i32>} : memref<4x200x64xf32, #tpu.memory_space<vmem>>, vector<1x1x16xf32>,
        %scan3A_401 = arith.constant 2 : i32
        %scan3A_402 = arith.addi %scan3A_312, %scan3A_401 : i32
        %get3A_403 = arith.index_cast %scan3A_402 : i32 to index
        %get3A_404 = arith.constant 0 : index
        %get3A_405 = tpu.vector_load %arg7[%get3A_403, %get3A_404] {strides = array<i32>} : memref<200x64xf32, #tpu.memory_space<vmem>>, vector<1x16xf32>,
        %get3A_406 = vector.shape_cast %get3A_405 : vector<1x16xf32> to vector<16xf32>
        %swap3A_407 = arith.constant 0 : i32
        %swap3A_408 = arith.index_cast %swap3A_407 : i32 to index
        %swap3A_409 = arith.index_cast %scan3A_402 : i32 to index
        %swap3A_410 = arith.constant 0 : index
        %swap3A_411 = tpu.vector_load %arg8[%swap3A_408, %swap3A_409, %swap3A_410] {strides = array<i32>} : memref<4x200x64xf32, #tpu.memory_space<vmem>>, vector<1x1x16xf32>,
        %swap3A_412 = vector.shape_cast %swap3A_411 : vector<1x1x16xf32> to vector<16xf32>
        %swap3A_413 = vector.shape_cast %get3A_406 : vector<16xf32> to vector<1x1x16xf32>
        tpu.vector_store %arg8[%swap3A_408, %swap3A_409, %swap3A_410], %swap3A_413 {add = true, strides = array<i32>} : memref<4x200x64xf32, #tpu.memory_space<vmem>>, vector<1x1x16xf32>,
        %get3A_414 = arith.index_cast %scan3A_402 : i32 to index
        %get3A_415 = arith.constant 16 : index
        %get3A_416 = tpu.vector_load %arg7[%get3A_414, %get3A_415] {strides = array<i32>} : memref<200x64xf32, #tpu.memory_space<vmem>>, vector<1x16xf32>,
        %get3A_417 = vector.shape_cast %get3A_416 : vector<1x16xf32> to vector<16xf32>
        %swap3A_418 = arith.constant 0 : i32
        %swap3A_419 = arith.index_cast %swap3A_418 : i32 to index
        %swap3A_420 = arith.index_cast %scan3A_402 : i32 to index
        %swap3A_421 = arith.constant 16 : index
        %swap3A_422 = tpu.vector_load %arg8[%swap3A_419, %swap3A_420, %swap3A_421] {strides = array<i32>} : memref<4x200x64xf32, #tpu.memory_space<vmem>>, vector<1x1x16xf32>,
        %swap3A_423 = vector.shape_cast %swap3A_422 : vector<1x1x16xf32> to vector<16xf32>
        %swap3A_424 = vector.shape_cast %get3A_417 : vector<16xf32> to vector<1x1x16xf32>
        tpu.vector_store %arg8[%swap3A_419, %swap3A_420, %swap3A_421], %swap3A_424 {add = true, strides = array<i32>} : memref<4x200x64xf32, #tpu.memory_space<vmem>>, vector<1x1x16xf32>,
        %get3A_425 = arith.index_cast %scan3A_402 : i32 to index
        %get3A_426 = arith.constant 32 : index
        %get3A_427 = tpu.vector_load %arg7[%get3A_425, %get3A_426] {strides = array<i32>} : memref<200x64xf32, #tpu.memory_space<vmem>>, vector<1x16xf32>,
        %get3A_428 = vector.shape_cast %get3A_427 : vector<1x16xf32> to vector<16xf32>
        %swap3A_429 = arith.constant 0 : i32
        %swap3A_430 = arith.index_cast %swap3A_429 : i32 to index
        %swap3A_431 = arith.index_cast %scan3A_402 : i32 to index
        %swap3A_432 = arith.constant 32 : index
        %swap3A_433 = tpu.vector_load %arg8[%swap3A_430, %swap3A_431, %swap3A_432] {strides = array<i32>} : memref<4x200x64xf32, #tpu.memory_space<vmem>>, vector<1x1x16xf32>,
        %swap3A_434 = vector.shape_cast %swap3A_433 : vector<1x1x16xf32> to vector<16xf32>
        %swap3A_435 = vector.shape_cast %get3A_428 : vector<16xf32> to vector<1x1x16xf32>
        tpu.vector_store %arg8[%swap3A_430, %swap3A_431, %swap3A_432], %swap3A_435 {add = true, strides = array<i32>} : memref<4x200x64xf32, #tpu.memory_space<vmem>>, vector<1x1x16xf32>,
        %get3A_436 = arith.index_cast %scan3A_402 : i32 to index
        %get3A_437 = arith.constant 48 : index
        %get3A_438 = tpu.vector_load %arg7[%get3A_436, %get3A_437] {strides = array<i32>} : memref<200x64xf32, #tpu.memory_space<vmem>>, vector<1x16xf32>,
        %get3A_439 = vector.shape_cast %get3A_438 : vector<1x16xf32> to vector<16xf32>
        %swap3A_440 = arith.constant 0 : i32
        %swap3A_441 = arith.index_cast %swap3A_440 : i32 to index
        %swap3A_442 = arith.index_cast %scan3A_402 : i32 to index
        %swap3A_443 = arith.constant 48 : index
        %swap3A_444 = tpu.vector_load %arg8[%swap3A_441, %swap3A_442, %swap3A_443] {strides = array<i32>} : memref<4x200x64xf32, #tpu.memory_space<vmem>>, vector<1x1x16xf32>,
        %swap3A_445 = vector.shape_cast %swap3A_444 : vector<1x1x16xf32> to vector<16xf32>
        %swap3A_446 = vector.shape_cast %get3A_439 : vector<16xf32> to vector<1x1x16xf32>
        tpu.vector_store %arg8[%swap3A_441, %swap3A_442, %swap3A_443], %swap3A_446 {add = true, strides = array<i32>} : memref<4x200x64xf32, #tpu.memory_space<vmem>>, vector<1x1x16xf32>,
        %scan3A_447 = arith.constant 3 : i32
        %scan3A_448 = arith.addi %scan3A_312, %scan3A_447 : i32
        %get3A_449 = arith.index_cast %scan3A_448 : i32 to index
        %get3A_450 = arith.constant 0 : index
        %get3A_451 = tpu.vector_load %arg7[%get3A_449, %get3A_450] {strides = array<i32>} : memref<200x64xf32, #tpu.memory_space<vmem>>, vector<1x16xf32>,
        %get3A_452 = vector.shape_cast %get3A_451 : vector<1x16xf32> to vector<16xf32>
        %swap3A_453 = arith.constant 0 : i32
        %swap3A_454 = arith.index_cast %swap3A_453 : i32 to index
        %swap3A_455 = arith.index_cast %scan3A_448 : i32 to index
        %swap3A_456 = arith.constant 0 : index
        %swap3A_457 = tpu.vector_load %arg8[%swap3A_454, %swap3A_455, %swap3A_456] {strides = array<i32>} : memref<4x200x64xf32, #tpu.memory_space<vmem>>, vector<1x1x16xf32>,
        %swap3A_458 = vector.shape_cast %swap3A_457 : vector<1x1x16xf32> to vector<16xf32>
        %swap3A_459 = vector.shape_cast %get3A_452 : vector<16xf32> to vector<1x1x16xf32>
        tpu.vector_store %arg8[%swap3A_454, %swap3A_455, %swap3A_456], %swap3A_459 {add = true, strides = array<i32>} : memref<4x200x64xf32, #tpu.memory_space<vmem>>, vector<1x1x16xf32>,
        %get3A_460 = arith.index_cast %scan3A_448 : i32 to index
        %get3A_461 = arith.constant 16 : index
        %get3A_462 = tpu.vector_load %arg7[%get3A_460, %get3A_461] {strides = array<i32>} : memref<200x64xf32, #tpu.memory_space<vmem>>, vector<1x16xf32>,
        %get3A_463 = vector.shape_cast %get3A_462 : vector<1x16xf32> to vector<16xf32>
        %swap3A_464 = arith.constant 0 : i32
        %swap3A_465 = arith.index_cast %swap3A_464 : i32 to index
        %swap3A_466 = arith.index_cast %scan3A_448 : i32 to index
        %swap3A_467 = arith.constant 16 : index
        %swap3A_468 = tpu.vector_load %arg8[%swap3A_465, %swap3A_466, %swap3A_467] {strides = array<i32>} : memref<4x200x64xf32, #tpu.memory_space<vmem>>, vector<1x1x16xf32>,
        %swap3A_469 = vector.shape_cast %swap3A_468 : vector<1x1x16xf32> to vector<16xf32>
        %swap3A_470 = vector.shape_cast %get3A_463 : vector<16xf32> to vector<1x1x16xf32>
        tpu.vector_store %arg8[%swap3A_465, %swap3A_466, %swap3A_467], %swap3A_470 {add = true, strides = array<i32>} : memref<4x200x64xf32, #tpu.memory_space<vmem>>, vector<1x1x16xf32>,
        %get3A_471 = arith.index_cast %scan3A_448 : i32 to index
        %get3A_472 = arith.constant 32 : index
        %get3A_473 = tpu.vector_load %arg7[%get3A_471, %get3A_472] {strides = array<i32>} : memref<200x64xf32, #tpu.memory_space<vmem>>, vector<1x16xf32>,
        %get3A_474 = vector.shape_cast %get3A_473 : vector<1x16xf32> to vector<16xf32>
        %swap3A_475 = arith.constant 0 : i32
        %swap3A_476 = arith.index_cast %swap3A_475 : i32 to index
        %swap3A_477 = arith.index_cast %scan3A_448 : i32 to index
        %swap3A_478 = arith.constant 32 : index
        %swap3A_479 = tpu.vector_load %arg8[%swap3A_476, %swap3A_477, %swap3A_478] {strides = array<i32>} : memref<4x200x64xf32, #tpu.memory_space<vmem>>, vector<1x1x16xf32>,
        %swap3A_480 = vector.shape_cast %swap3A_479 : vector<1x1x16xf32> to vector<16xf32>
        %swap3A_481 = vector.shape_cast %get3A_474 : vector<16xf32> to vector<1x1x16xf32>
        tpu.vector_store %arg8[%swap3A_476, %swap3A_477, %swap3A_478], %swap3A_481 {add = true, strides = array<i32>} : memref<4x200x64xf32, #tpu.memory_space<vmem>>, vector<1x1x16xf32>,
        %get3A_482 = arith.index_cast %scan3A_448 : i32 to index
        %get3A_483 = arith.constant 48 : index
        %get3A_484 = tpu.vector_load %arg7[%get3A_482, %get3A_483] {strides = array<i32>} : memref<200x64xf32, #tpu.memory_space<vmem>>, vector<1x16xf32>,
        %get3A_485 = vector.shape_cast %get3A_484 : vector<1x16xf32> to vector<16xf32>
        %swap3A_486 = arith.constant 0 : i32
        %swap3A_487 = arith.index_cast %swap3A_486 : i32 to index
        %swap3A_488 = arith.index_cast %scan3A_448 : i32 to index
        %swap3A_489 = arith.constant 48 : index
        %swap3A_490 = tpu.vector_load %arg8[%swap3A_487, %swap3A_488, %swap3A_489] {strides = array<i32>} : memref<4x200x64xf32, #tpu.memory_space<vmem>>, vector<1x1x16xf32>,
        %swap3A_491 = vector.shape_cast %swap3A_490 : vector<1x1x16xf32> to vector<16xf32>
        %swap3A_492 = vector.shape_cast %get3A_485 : vector<16xf32> to vector<1x1x16xf32>
        tpu.vector_store %arg8[%swap3A_487, %swap3A_488, %swap3A_489], %swap3A_492 {add = true, strides = array<i32>} : memref<4x200x64xf32, #tpu.memory_space<vmem>>, vector<1x1x16xf32>,
      }
      %scan3A_128 = arith.constant 200 : i32
      %add3A_129 = arith.addi %mul3A_2, %add3A_96 : i32
      %dma_start3A_130 = arith.constant 0 : i32
      %dma_start3A_131 = arith.constant 0 : i32
      %dma_start3A_132 = arith.constant 0 : i32
      %dma_start3A_133 = tpu.memref_slice %arg8[%dma_start3A_130, %dma_start3A_131, %dma_start3A_132] : memref<4x200x64xf32, #tpu.memory_space<vmem>> -> memref<1x200x64xf32, #tpu.memory_space<vmem>>
      %dma_start3A_134 = tpu.memref_squeeze %dma_start3A_133 : memref<1x200x64xf32, #tpu.memory_space<vmem>> -> memref<200x64xf32, #tpu.memory_space<vmem>>
      %dma_start3A_135 = arith.constant 0 : i32
      %dma_start3A_136 = arith.constant 0 : i32
      %dma_start3A_137 = tpu.memref_slice %arg5[%add3A_129, %dma_start3A_135, %dma_start3A_136] : memref<4096x200x128xf32, #tpu.memory_space<hbm>> -> memref<1x200x64xf32, #tpu.memory_space<hbm>>
      %dma_start3A_138 = tpu.memref_squeeze %dma_start3A_137 : memref<1x200x64xf32, #tpu.memory_space<hbm>> -> memref<200x64xf32, #tpu.memory_space<hbm>>
      %dma_start3A_139 = arith.constant 0 : i32
      %dma_start3A_140 = arith.constant 0 : i32
      %dma_start3A_141 = tpu.memref_slice %arg5[%add3A_129, %dma_start3A_139, %dma_start3A_140] : memref<4096x200x128xf32, #tpu.memory_space<hbm>> -> memref<1x200x64xf32, #tpu.memory_space<hbm>>
      %dma_start3A_142 = tpu.memref_squeeze %dma_start3A_141 : memref<1x200x64xf32, #tpu.memory_space<hbm>> -> memref<200x64xf32, #tpu.memory_space<hbm>>
      %dma_start3A_143 = arith.constant 0 : i32
      %dma_start3A_144 = arith.constant 0 : i32
      %dma_start3A_145 = tpu.memref_slice %arg8[%dma_start3A_130, %dma_start3A_143, %dma_start3A_144] : memref<4x200x64xf32, #tpu.memory_space<vmem>> -> memref<1x200x64xf32, #tpu.memory_space<vmem>>
      %dma_start3A_146 = tpu.memref_squeeze %dma_start3A_145 : memref<1x200x64xf32, #tpu.memory_space<vmem>> -> memref<200x64xf32, #tpu.memory_space<vmem>>
      tpu.enqueue_dma source(%dma_start3A_146 : memref<200x64xf32, #tpu.memory_space<vmem>>) target(%dma_start3A_142 : memref<200x64xf32, #tpu.memory_space<hbm>>) target_semaphore(%arg13 : memref<!tpu.dma_semaphore, #tpu.memory_space<semaphore_mem>>)
      %add3A_147 = arith.constant 1 : i32
      %add3A_148 = arith.addi %mul3A_94, %add3A_147 : i32
      %add3A_149 = arith.constant 2 : i32
      %add3A_150 = arith.addi %add3A_148, %add3A_149 : i32
      %lt3A_151 = arith.constant 128 : i32
      %lt3A_152 = arith.cmpi slt, %add3A_150, %lt3A_151 : i32
      %convert_element_type3A_153 = arith.extui %lt3A_152 : i1 to i32
      %cond3A_154 = arith.constant 0 : i32
      %cond3A_155 = arith.cmpi ne, %convert_element_type3A_153, %cond3A_154 : i32
      scf.if %cond3A_155 {
        %ge3A = arith.constant 2 : i32
        %ge3A_312 = arith.cmpi sge, %add3A_148, %ge3A : i32
        %convert_element_type3A_313 = arith.extui %ge3A_312 : i1 to i32
        %cond3A_314 = arith.constant 0 : i32
        %cond3A_315 = arith.cmpi ne, %convert_element_type3A_313, %cond3A_314 : i32
        scf.if %cond3A_315 {
          %sub3A = arith.constant 2 : i32
          %sub3A_338 = arith.subi %add3A_148, %sub3A : i32
          %add3A_339 = arith.addi %mul3A_2, %sub3A_338 : i32
          %dma_wait3A_340 = arith.constant 3 : i32
          %dma_wait3A_341 = arith.constant 0 : i32
          %dma_wait3A_342 = arith.constant 0 : i32
          %dma_wait3A_343 = tpu.memref_slice %arg8[%dma_wait3A_340, %dma_wait3A_341, %dma_wait3A_342] : memref<4x200x64xf32, #tpu.memory_space<vmem>> -> memref<1x200x64xf32, #tpu.memory_space<vmem>>
          %dma_wait3A_344 = tpu.memref_squeeze %dma_wait3A_343 : memref<1x200x64xf32, #tpu.memory_space<vmem>> -> memref<200x64xf32, #tpu.memory_space<vmem>>
          %dma_wait3A_345 = arith.constant 0 : i32
          %dma_wait3A_346 = arith.constant 0 : i32
          %dma_wait3A_347 = tpu.memref_slice %arg5[%add3A_339, %dma_wait3A_345, %dma_wait3A_346] : memref<4096x200x128xf32, #tpu.memory_space<hbm>> -> memref<1x200x64xf32, #tpu.memory_space<hbm>>
          %dma_wait3A_348 = tpu.memref_squeeze %dma_wait3A_347 : memref<1x200x64xf32, #tpu.memory_space<hbm>> -> memref<200x64xf32, #tpu.memory_space<hbm>>
          %dma_wait3A_349 = arith.constant 0 : i32
          %dma_wait3A_350 = arith.constant 0 : i32
          %dma_wait3A_351 = tpu.memref_slice %arg5[%add3A_339, %dma_wait3A_349, %dma_wait3A_350] : memref<4096x200x128xf32, #tpu.memory_space<hbm>> -> memref<1x200x64xf32, #tpu.memory_space<hbm>>
          %dma_wait3A_352 = tpu.memref_squeeze %dma_wait3A_351 : memref<1x200x64xf32, #tpu.memory_space<hbm>> -> memref<200x64xf32, #tpu.memory_space<hbm>>
          %dma_wait3A_353 = arith.constant 0 : i32
          %dma_wait3A_354 = arith.constant 0 : i32
          %dma_wait3A_355 = tpu.memref_slice %arg8[%dma_wait3A_340, %dma_wait3A_353, %dma_wait3A_354] : memref<4x200x64xf32, #tpu.memory_space<vmem>> -> memref<1x200x64xf32, #tpu.memory_space<vmem>>
          %dma_wait3A_356 = tpu.memref_squeeze %dma_wait3A_355 : memref<1x200x64xf32, #tpu.memory_space<vmem>> -> memref<200x64xf32, #tpu.memory_space<vmem>>
          tpu.wait_dma2 semaphore(%arg16 : memref<!tpu.dma_semaphore, #tpu.memory_space<semaphore_mem>>) src(%dma_wait3A_356 : memref<200x64xf32, #tpu.memory_space<vmem>>) dst(%dma_wait3A_352 : memref<200x64xf32, #tpu.memory_space<hbm>>)
        } else {
        }
        %dma_start3A_316 = arith.constant 3 : i32
        %dma_start3A_317 = arith.constant 0 : i32
        %dma_start3A_318 = arith.constant 0 : i32
        %dma_start3A_319 = tpu.memref_slice %arg8[%dma_start3A_316, %dma_start3A_317, %dma_start3A_318] : memref<4x200x64xf32, #tpu.memory_space<vmem>> -> memref<1x128x64xf32, #tpu.memory_space<vmem>>
        %dma_start3A_320 = tpu.memref_squeeze %dma_start3A_319 : memref<1x128x64xf32, #tpu.memory_space<vmem>> -> memref<128x64xf32, #tpu.memory_space<vmem>>
        %dma_start3A_321 = arith.constant 0 : i32
        %dma_start3A_322 = tpu.memref_slice %arg6[%add3A_150, %dma_start3A_321] : memref<128x200xi32, #tpu.memory_space<vmem>> -> memref<1x128xi32, #tpu.memory_space<vmem>>
        %dma_start3A_323 = tpu.memref_squeeze %dma_start3A_322 : memref<1x128xi32, #tpu.memory_space<vmem>> -> memref<128xi32, #tpu.memory_space<vmem>>
        %dma_start3A_324 = arith.constant 0 : i32
        %dma_start3A_325 = arith.constant 0 : i32
        %dma_start3A_326 = tpu.memref_slice %arg3[%dma_start3A_324, %dma_start3A_325] : memref<2000000x64xf32, #tpu.memory_space<hbm>> -> memref<2000000x64xf32, #tpu.memory_space<hbm>>
        tpu.enqueue_indirect_dma source(%dma_start3A_326 : memref<2000000x64xf32, #tpu.memory_space<hbm>>) target(%dma_start3A_320 : memref<128x64xf32, #tpu.memory_space<vmem>>) offsets(%dma_start3A_323 : memref<128xi32, #tpu.memory_space<vmem>>) semaphore(%arg12 : memref<!tpu.dma_semaphore, #tpu.memory_space<semaphore_mem>>)
        %dma_start3A_327 = arith.constant 3 : i32
        %dma_start3A_328 = arith.constant 128 : i32
        %dma_start3A_329 = arith.constant 0 : i32
        %dma_start3A_330 = tpu.memref_slice %arg8[%dma_start3A_327, %dma_start3A_328, %dma_start3A_329] : memref<4x200x64xf32, #tpu.memory_space<vmem>> -> memref<1x72x64xf32, #tpu.memory_space<vmem>>
        %dma_start3A_331 = tpu.memref_squeeze %dma_start3A_330 : memref<1x72x64xf32, #tpu.memory_space<vmem>> -> memref<72x64xf32, #tpu.memory_space<vmem>>
        %dma_start3A_332 = arith.constant 128 : i32
        %dma_start3A_333 = tpu.memref_slice %arg6[%add3A_150, %dma_start3A_332] : memref<128x200xi32, #tpu.memory_space<vmem>> -> memref<1x72xi32, #tpu.memory_space<vmem>>
        %dma_start3A_334 = tpu.memref_squeeze %dma_start3A_333 : memref<1x72xi32, #tpu.memory_space<vmem>> -> memref<72xi32, #tpu.memory_space<vmem>>
        %dma_start3A_335 = arith.constant 0 : i32
        %dma_start3A_336 = arith.constant 0 : i32
        %dma_start3A_337 = tpu.memref_slice %arg3[%dma_start3A_335, %dma_start3A_336] : memref<2000000x64xf32, #tpu.memory_space<hbm>> -> memref<2000000x64xf32, #tpu.memory_space<hbm>>
        tpu.enqueue_indirect_dma source(%dma_start3A_337 : memref<2000000x64xf32, #tpu.memory_space<hbm>>) target(%dma_start3A_331 : memref<72x64xf32, #tpu.memory_space<vmem>>) offsets(%dma_start3A_334 : memref<72xi32, #tpu.memory_space<vmem>>) semaphore(%arg12 : memref<!tpu.dma_semaphore, #tpu.memory_space<semaphore_mem>>)
      } else {
      }
      %dma_wait3A_156 = arith.constant 1 : i32
      %dma_wait3A_157 = arith.constant 0 : i32
      %dma_wait3A_158 = arith.constant 0 : i32
      %dma_wait3A_159 = tpu.memref_slice %arg8[%dma_wait3A_156, %dma_wait3A_157, %dma_wait3A_158] : memref<4x200x64xf32, #tpu.memory_space<vmem>> -> memref<1x128x64xf32, #tpu.memory_space<vmem>>
      %dma_wait3A_160 = tpu.memref_squeeze %dma_wait3A_159 : memref<1x128x64xf32, #tpu.memory_space<vmem>> -> memref<128x64xf32, #tpu.memory_space<vmem>>
      %dma_wait3A_161 = arith.constant 0 : i32
      %dma_wait3A_162 = tpu.memref_slice %arg6[%add3A_148, %dma_wait3A_161] : memref<128x200xi32, #tpu.memory_space<vmem>> -> memref<1x128xi32, #tpu.memory_space<vmem>>
      %dma_wait3A_163 = tpu.memref_squeeze %dma_wait3A_162 : memref<1x128xi32, #tpu.memory_space<vmem>> -> memref<128xi32, #tpu.memory_space<vmem>>
      %dma_wait3A_164 = arith.constant 0 : i32
      %dma_wait3A_165 = arith.constant 0 : i32
      %dma_wait3A_166 = tpu.memref_slice %arg3[%dma_wait3A_164, %dma_wait3A_165] : memref<2000000x64xf32, #tpu.memory_space<hbm>> -> memref<2000000x64xf32, #tpu.memory_space<hbm>>
      tpu.wait_indirect_dma semaphore(%arg10 : memref<!tpu.dma_semaphore, #tpu.memory_space<semaphore_mem>>) src(%dma_wait3A_166 : memref<2000000x64xf32, #tpu.memory_space<hbm>>) dst(%dma_wait3A_160 : memref<128x64xf32, #tpu.memory_space<vmem>>)
      %dma_wait3A_167 = arith.constant 1 : i32
      %dma_wait3A_168 = arith.constant 128 : i32
      %dma_wait3A_169 = arith.constant 0 : i32
      %dma_wait3A_170 = tpu.memref_slice %arg8[%dma_wait3A_167, %dma_wait3A_168, %dma_wait3A_169] : memref<4x200x64xf32, #tpu.memory_space<vmem>> -> memref<1x72x64xf32, #tpu.memory_space<vmem>>
      %dma_wait3A_171 = tpu.memref_squeeze %dma_wait3A_170 : memref<1x72x64xf32, #tpu.memory_space<vmem>> -> memref<72x64xf32, #tpu.memory_space<vmem>>
      %dma_wait3A_172 = arith.constant 128 : i32
      %dma_wait3A_173 = tpu.memref_slice %arg6[%add3A_148, %dma_wait3A_172] : memref<128x200xi32, #tpu.memory_space<vmem>> -> memref<1x72xi32, #tpu.memory_space<vmem>>
      %dma_wait3A_174 = tpu.memref_squeeze %dma_wait3A_173 : memref<1x72xi32, #tpu.memory_space<vmem>> -> memref<72xi32, #tpu.memory_space<vmem>>
      %dma_wait3A_175 = arith.constant 0 : i32
      %dma_wait3A_176 = arith.constant 0 : i32
      %dma_wait3A_177 = tpu.memref_slice %arg3[%dma_wait3A_175, %dma_wait3A_176] : memref<2000000x64xf32, #tpu.memory_space<hbm>> -> memref<2000000x64xf32, #tpu.memory_space<hbm>>
      tpu.wait_indirect_dma semaphore(%arg10 : memref<!tpu.dma_semaphore, #tpu.memory_space<semaphore_mem>>) src(%dma_wait3A_177 : memref<2000000x64xf32, #tpu.memory_space<hbm>>) dst(%dma_wait3A_171 : memref<72x64xf32, #tpu.memory_space<vmem>>)
      %scan3A_178 = arith.constant 0 : i32
      %scan3A_179 = arith.constant 0 : i32
      %scan3A_180 = arith.constant 200 : i32
      %scan3A_181 = arith.addi %scan3A_179, %scan3A_180 : i32
      %scan3A_182 = arith.constant 4 : i32
      scf.for %scan3A_312 = %scan3A_179 to %scan3A_181 step %scan3A_182  : i32 {
        %get3A = arith.index_cast %scan3A_312 : i32 to index
        %get3A_313 = arith.constant 0 : index
        %get3A_314 = tpu.vector_load %arg7[%get3A, %get3A_313] {strides = array<i32>} : memref<200x64xf32, #tpu.memory_space<vmem>>, vector<1x16xf32>,
        %get3A_315 = vector.shape_cast %get3A_314 : vector<1x16xf32> to vector<16xf32>
        %swap3A = arith.constant 1 : i32
        %swap3A_316 = arith.index_cast %swap3A : i32 to index
        %swap3A_317 = arith.index_cast %scan3A_312 : i32 to index
        %swap3A_318 = arith.constant 0 : index
        %swap3A_319 = tpu.vector_load %arg8[%swap3A_316, %swap3A_317, %swap3A_318] {strides = array<i32>} : memref<4x200x64xf32, #tpu.memory_space<vmem>>, vector<1x1x16xf32>,
        %swap3A_320 = vector.shape_cast %swap3A_319 : vector<1x1x16xf32> to vector<16xf32>
        %swap3A_321 = vector.shape_cast %get3A_315 : vector<16xf32> to vector<1x1x16xf32>
        tpu.vector_store %arg8[%swap3A_316, %swap3A_317, %swap3A_318], %swap3A_321 {add = true, strides = array<i32>} : memref<4x200x64xf32, #tpu.memory_space<vmem>>, vector<1x1x16xf32>,
        %get3A_322 = arith.index_cast %scan3A_312 : i32 to index
        %get3A_323 = arith.constant 16 : index
        %get3A_324 = tpu.vector_load %arg7[%get3A_322, %get3A_323] {strides = array<i32>} : memref<200x64xf32, #tpu.memory_space<vmem>>, vector<1x16xf32>,
        %get3A_325 = vector.shape_cast %get3A_324 : vector<1x16xf32> to vector<16xf32>
        %swap3A_326 = arith.constant 1 : i32
        %swap3A_327 = arith.index_cast %swap3A_326 : i32 to index
        %swap3A_328 = arith.index_cast %scan3A_312 : i32 to index
        %swap3A_329 = arith.constant 16 : index
        %swap3A_330 = tpu.vector_load %arg8[%swap3A_327, %swap3A_328, %swap3A_329] {strides = array<i32>} : memref<4x200x64xf32, #tpu.memory_space<vmem>>, vector<1x1x16xf32>,
        %swap3A_331 = vector.shape_cast %swap3A_330 : vector<1x1x16xf32> to vector<16xf32>
        %swap3A_332 = vector.shape_cast %get3A_325 : vector<16xf32> to vector<1x1x16xf32>
        tpu.vector_store %arg8[%swap3A_327, %swap3A_328, %swap3A_329], %swap3A_332 {add = true, strides = array<i32>} : memref<4x200x64xf32, #tpu.memory_space<vmem>>, vector<1x1x16xf32>,
        %get3A_333 = arith.index_cast %scan3A_312 : i32 to index
        %get3A_334 = arith.constant 32 : index
        %get3A_335 = tpu.vector_load %arg7[%get3A_333, %get3A_334] {strides = array<i32>} : memref<200x64xf32, #tpu.memory_space<vmem>>, vector<1x16xf32>,
        %get3A_336 = vector.shape_cast %get3A_335 : vector<1x16xf32> to vector<16xf32>
        %swap3A_337 = arith.constant 1 : i32
        %swap3A_338 = arith.index_cast %swap3A_337 : i32 to index
        %swap3A_339 = arith.index_cast %scan3A_312 : i32 to index
        %swap3A_340 = arith.constant 32 : index
        %swap3A_341 = tpu.vector_load %arg8[%swap3A_338, %swap3A_339, %swap3A_340] {strides = array<i32>} : memref<4x200x64xf32, #tpu.memory_space<vmem>>, vector<1x1x16xf32>,
        %swap3A_342 = vector.shape_cast %swap3A_341 : vector<1x1x16xf32> to vector<16xf32>
        %swap3A_343 = vector.shape_cast %get3A_336 : vector<16xf32> to vector<1x1x16xf32>
        tpu.vector_store %arg8[%swap3A_338, %swap3A_339, %swap3A_340], %swap3A_343 {add = true, strides = array<i32>} : memref<4x200x64xf32, #tpu.memory_space<vmem>>, vector<1x1x16xf32>,
        %get3A_344 = arith.index_cast %scan3A_312 : i32 to index
        %get3A_345 = arith.constant 48 : index
        %get3A_346 = tpu.vector_load %arg7[%get3A_344, %get3A_345] {strides = array<i32>} : memref<200x64xf32, #tpu.memory_space<vmem>>, vector<1x16xf32>,
        %get3A_347 = vector.shape_cast %get3A_346 : vector<1x16xf32> to vector<16xf32>
        %swap3A_348 = arith.constant 1 : i32
        %swap3A_349 = arith.index_cast %swap3A_348 : i32 to index
        %swap3A_350 = arith.index_cast %scan3A_312 : i32 to index
        %swap3A_351 = arith.constant 48 : index
        %swap3A_352 = tpu.vector_load %arg8[%swap3A_349, %swap3A_350, %swap3A_351] {strides = array<i32>} : memref<4x200x64xf32, #tpu.memory_space<vmem>>, vector<1x1x16xf32>,
        %swap3A_353 = vector.shape_cast %swap3A_352 : vector<1x1x16xf32> to vector<16xf32>
        %swap3A_354 = vector.shape_cast %get3A_347 : vector<16xf32> to vector<1x1x16xf32>
        tpu.vector_store %arg8[%swap3A_349, %swap3A_350, %swap3A_351], %swap3A_354 {add = true, strides = array<i32>} : memref<4x200x64xf32, #tpu.memory_space<vmem>>, vector<1x1x16xf32>,
        %scan3A_355 = arith.constant 1 : i32
        %scan3A_356 = arith.addi %scan3A_312, %scan3A_355 : i32
        %get3A_357 = arith.index_cast %scan3A_356 : i32 to index
        %get3A_358 = arith.constant 0 : index
        %get3A_359 = tpu.vector_load %arg7[%get3A_357, %get3A_358] {strides = array<i32>} : memref<200x64xf32, #tpu.memory_space<vmem>>, vector<1x16xf32>,
        %get3A_360 = vector.shape_cast %get3A_359 : vector<1x16xf32> to vector<16xf32>
        %swap3A_361 = arith.constant 1 : i32
        %swap3A_362 = arith.index_cast %swap3A_361 : i32 to index
        %swap3A_363 = arith.index_cast %scan3A_356 : i32 to index
        %swap3A_364 = arith.constant 0 : index
        %swap3A_365 = tpu.vector_load %arg8[%swap3A_362, %swap3A_363, %swap3A_364] {strides = array<i32>} : memref<4x200x64xf32, #tpu.memory_space<vmem>>, vector<1x1x16xf32>,
        %swap3A_366 = vector.shape_cast %swap3A_365 : vector<1x1x16xf32> to vector<16xf32>
        %swap3A_367 = vector.shape_cast %get3A_360 : vector<16xf32> to vector<1x1x16xf32>
        tpu.vector_store %arg8[%swap3A_362, %swap3A_363, %swap3A_364], %swap3A_367 {add = true, strides = array<i32>} : memref<4x200x64xf32, #tpu.memory_space<vmem>>, vector<1x1x16xf32>,
        %get3A_368 = arith.index_cast %scan3A_356 : i32 to index
        %get3A_369 = arith.constant 16 : index
        %get3A_370 = tpu.vector_load %arg7[%get3A_368, %get3A_369] {strides = array<i32>} : memref<200x64xf32, #tpu.memory_space<vmem>>, vector<1x16xf32>,
        %get3A_371 = vector.shape_cast %get3A_370 : vector<1x16xf32> to vector<16xf32>
        %swap3A_372 = arith.constant 1 : i32
        %swap3A_373 = arith.index_cast %swap3A_372 : i32 to index
        %swap3A_374 = arith.index_cast %scan3A_356 : i32 to index
        %swap3A_375 = arith.constant 16 : index
        %swap3A_376 = tpu.vector_load %arg8[%swap3A_373, %swap3A_374, %swap3A_375] {strides = array<i32>} : memref<4x200x64xf32, #tpu.memory_space<vmem>>, vector<1x1x16xf32>,
        %swap3A_377 = vector.shape_cast %swap3A_376 : vector<1x1x16xf32> to vector<16xf32>
        %swap3A_378 = vector.shape_cast %get3A_371 : vector<16xf32> to vector<1x1x16xf32>
        tpu.vector_store %arg8[%swap3A_373, %swap3A_374, %swap3A_375], %swap3A_378 {add = true, strides = array<i32>} : memref<4x200x64xf32, #tpu.memory_space<vmem>>, vector<1x1x16xf32>,
        %get3A_379 = arith.index_cast %scan3A_356 : i32 to index
        %get3A_380 = arith.constant 32 : index
        %get3A_381 = tpu.vector_load %arg7[%get3A_379, %get3A_380] {strides = array<i32>} : memref<200x64xf32, #tpu.memory_space<vmem>>, vector<1x16xf32>,
        %get3A_382 = vector.shape_cast %get3A_381 : vector<1x16xf32> to vector<16xf32>
        %swap3A_383 = arith.constant 1 : i32
        %swap3A_384 = arith.index_cast %swap3A_383 : i32 to index
        %swap3A_385 = arith.index_cast %scan3A_356 : i32 to index
        %swap3A_386 = arith.constant 32 : index
        %swap3A_387 = tpu.vector_load %arg8[%swap3A_384, %swap3A_385, %swap3A_386] {strides = array<i32>} : memref<4x200x64xf32, #tpu.memory_space<vmem>>, vector<1x1x16xf32>,
        %swap3A_388 = vector.shape_cast %swap3A_387 : vector<1x1x16xf32> to vector<16xf32>
        %swap3A_389 = vector.shape_cast %get3A_382 : vector<16xf32> to vector<1x1x16xf32>
        tpu.vector_store %arg8[%swap3A_384, %swap3A_385, %swap3A_386], %swap3A_389 {add = true, strides = array<i32>} : memref<4x200x64xf32, #tpu.memory_space<vmem>>, vector<1x1x16xf32>,
        %get3A_390 = arith.index_cast %scan3A_356 : i32 to index
        %get3A_391 = arith.constant 48 : index
        %get3A_392 = tpu.vector_load %arg7[%get3A_390, %get3A_391] {strides = array<i32>} : memref<200x64xf32, #tpu.memory_space<vmem>>, vector<1x16xf32>,
        %get3A_393 = vector.shape_cast %get3A_392 : vector<1x16xf32> to vector<16xf32>
        %swap3A_394 = arith.constant 1 : i32
        %swap3A_395 = arith.index_cast %swap3A_394 : i32 to index
        %swap3A_396 = arith.index_cast %scan3A_356 : i32 to index
        %swap3A_397 = arith.constant 48 : index
        %swap3A_398 = tpu.vector_load %arg8[%swap3A_395, %swap3A_396, %swap3A_397] {strides = array<i32>} : memref<4x200x64xf32, #tpu.memory_space<vmem>>, vector<1x1x16xf32>,
        %swap3A_399 = vector.shape_cast %swap3A_398 : vector<1x1x16xf32> to vector<16xf32>
        %swap3A_400 = vector.shape_cast %get3A_393 : vector<16xf32> to vector<1x1x16xf32>
        tpu.vector_store %arg8[%swap3A_395, %swap3A_396, %swap3A_397], %swap3A_400 {add = true, strides = array<i32>} : memref<4x200x64xf32, #tpu.memory_space<vmem>>, vector<1x1x16xf32>,
        %scan3A_401 = arith.constant 2 : i32
        %scan3A_402 = arith.addi %scan3A_312, %scan3A_401 : i32
        %get3A_403 = arith.index_cast %scan3A_402 : i32 to index
        %get3A_404 = arith.constant 0 : index
        %get3A_405 = tpu.vector_load %arg7[%get3A_403, %get3A_404] {strides = array<i32>} : memref<200x64xf32, #tpu.memory_space<vmem>>, vector<1x16xf32>,
        %get3A_406 = vector.shape_cast %get3A_405 : vector<1x16xf32> to vector<16xf32>
        %swap3A_407 = arith.constant 1 : i32
        %swap3A_408 = arith.index_cast %swap3A_407 : i32 to index
        %swap3A_409 = arith.index_cast %scan3A_402 : i32 to index
        %swap3A_410 = arith.constant 0 : index
        %swap3A_411 = tpu.vector_load %arg8[%swap3A_408, %swap3A_409, %swap3A_410] {strides = array<i32>} : memref<4x200x64xf32, #tpu.memory_space<vmem>>, vector<1x1x16xf32>,
        %swap3A_412 = vector.shape_cast %swap3A_411 : vector<1x1x16xf32> to vector<16xf32>
        %swap3A_413 = vector.shape_cast %get3A_406 : vector<16xf32> to vector<1x1x16xf32>
        tpu.vector_store %arg8[%swap3A_408, %swap3A_409, %swap3A_410], %swap3A_413 {add = true, strides = array<i32>} : memref<4x200x64xf32, #tpu.memory_space<vmem>>, vector<1x1x16xf32>,
        %get3A_414 = arith.index_cast %scan3A_402 : i32 to index
        %get3A_415 = arith.constant 16 : index
        %get3A_416 = tpu.vector_load %arg7[%get3A_414, %get3A_415] {strides = array<i32>} : memref<200x64xf32, #tpu.memory_space<vmem>>, vector<1x16xf32>,
        %get3A_417 = vector.shape_cast %get3A_416 : vector<1x16xf32> to vector<16xf32>
        %swap3A_418 = arith.constant 1 : i32
        %swap3A_419 = arith.index_cast %swap3A_418 : i32 to index
        %swap3A_420 = arith.index_cast %scan3A_402 : i32 to index
        %swap3A_421 = arith.constant 16 : index
        %swap3A_422 = tpu.vector_load %arg8[%swap3A_419, %swap3A_420, %swap3A_421] {strides = array<i32>} : memref<4x200x64xf32, #tpu.memory_space<vmem>>, vector<1x1x16xf32>,
        %swap3A_423 = vector.shape_cast %swap3A_422 : vector<1x1x16xf32> to vector<16xf32>
        %swap3A_424 = vector.shape_cast %get3A_417 : vector<16xf32> to vector<1x1x16xf32>
        tpu.vector_store %arg8[%swap3A_419, %swap3A_420, %swap3A_421], %swap3A_424 {add = true, strides = array<i32>} : memref<4x200x64xf32, #tpu.memory_space<vmem>>, vector<1x1x16xf32>,
        %get3A_425 = arith.index_cast %scan3A_402 : i32 to index
        %get3A_426 = arith.constant 32 : index
        %get3A_427 = tpu.vector_load %arg7[%get3A_425, %get3A_426] {strides = array<i32>} : memref<200x64xf32, #tpu.memory_space<vmem>>, vector<1x16xf32>,
        %get3A_428 = vector.shape_cast %get3A_427 : vector<1x16xf32> to vector<16xf32>
        %swap3A_429 = arith.constant 1 : i32
        %swap3A_430 = arith.index_cast %swap3A_429 : i32 to index
        %swap3A_431 = arith.index_cast %scan3A_402 : i32 to index
        %swap3A_432 = arith.constant 32 : index
        %swap3A_433 = tpu.vector_load %arg8[%swap3A_430, %swap3A_431, %swap3A_432] {strides = array<i32>} : memref<4x200x64xf32, #tpu.memory_space<vmem>>, vector<1x1x16xf32>,
        %swap3A_434 = vector.shape_cast %swap3A_433 : vector<1x1x16xf32> to vector<16xf32>
        %swap3A_435 = vector.shape_cast %get3A_428 : vector<16xf32> to vector<1x1x16xf32>
        tpu.vector_store %arg8[%swap3A_430, %swap3A_431, %swap3A_432], %swap3A_435 {add = true, strides = array<i32>} : memref<4x200x64xf32, #tpu.memory_space<vmem>>, vector<1x1x16xf32>,
        %get3A_436 = arith.index_cast %scan3A_402 : i32 to index
        %get3A_437 = arith.constant 48 : index
        %get3A_438 = tpu.vector_load %arg7[%get3A_436, %get3A_437] {strides = array<i32>} : memref<200x64xf32, #tpu.memory_space<vmem>>, vector<1x16xf32>,
        %get3A_439 = vector.shape_cast %get3A_438 : vector<1x16xf32> to vector<16xf32>
        %swap3A_440 = arith.constant 1 : i32
        %swap3A_441 = arith.index_cast %swap3A_440 : i32 to index
        %swap3A_442 = arith.index_cast %scan3A_402 : i32 to index
        %swap3A_443 = arith.constant 48 : index
        %swap3A_444 = tpu.vector_load %arg8[%swap3A_441, %swap3A_442, %swap3A_443] {strides = array<i32>} : memref<4x200x64xf32, #tpu.memory_space<vmem>>, vector<1x1x16xf32>,
        %swap3A_445 = vector.shape_cast %swap3A_444 : vector<1x1x16xf32> to vector<16xf32>
        %swap3A_446 = vector.shape_cast %get3A_439 : vector<16xf32> to vector<1x1x16xf32>
        tpu.vector_store %arg8[%swap3A_441, %swap3A_442, %swap3A_443], %swap3A_446 {add = true, strides = array<i32>} : memref<4x200x64xf32, #tpu.memory_space<vmem>>, vector<1x1x16xf32>,
        %scan3A_447 = arith.constant 3 : i32
        %scan3A_448 = arith.addi %scan3A_312, %scan3A_447 : i32
        %get3A_449 = arith.index_cast %scan3A_448 : i32 to index
        %get3A_450 = arith.constant 0 : index
        %get3A_451 = tpu.vector_load %arg7[%get3A_449, %get3A_450] {strides = array<i32>} : memref<200x64xf32, #tpu.memory_space<vmem>>, vector<1x16xf32>,
        %get3A_452 = vector.shape_cast %get3A_451 : vector<1x16xf32> to vector<16xf32>
        %swap3A_453 = arith.constant 1 : i32
        %swap3A_454 = arith.index_cast %swap3A_453 : i32 to index
        %swap3A_455 = arith.index_cast %scan3A_448 : i32 to index
        %swap3A_456 = arith.constant 0 : index
        %swap3A_457 = tpu.vector_load %arg8[%swap3A_454, %swap3A_455, %swap3A_456] {strides = array<i32>} : memref<4x200x64xf32, #tpu.memory_space<vmem>>, vector<1x1x16xf32>,
        %swap3A_458 = vector.shape_cast %swap3A_457 : vector<1x1x16xf32> to vector<16xf32>
        %swap3A_459 = vector.shape_cast %get3A_452 : vector<16xf32> to vector<1x1x16xf32>
        tpu.vector_store %arg8[%swap3A_454, %swap3A_455, %swap3A_456], %swap3A_459 {add = true, strides = array<i32>} : memref<4x200x64xf32, #tpu.memory_space<vmem>>, vector<1x1x16xf32>,
        %get3A_460 = arith.index_cast %scan3A_448 : i32 to index
        %get3A_461 = arith.constant 16 : index
        %get3A_462 = tpu.vector_load %arg7[%get3A_460, %get3A_461] {strides = array<i32>} : memref<200x64xf32, #tpu.memory_space<vmem>>, vector<1x16xf32>,
        %get3A_463 = vector.shape_cast %get3A_462 : vector<1x16xf32> to vector<16xf32>
        %swap3A_464 = arith.constant 1 : i32
        %swap3A_465 = arith.index_cast %swap3A_464 : i32 to index
        %swap3A_466 = arith.index_cast %scan3A_448 : i32 to index
        %swap3A_467 = arith.constant 16 : index
        %swap3A_468 = tpu.vector_load %arg8[%swap3A_465, %swap3A_466, %swap3A_467] {strides = array<i32>} : memref<4x200x64xf32, #tpu.memory_space<vmem>>, vector<1x1x16xf32>,
        %swap3A_469 = vector.shape_cast %swap3A_468 : vector<1x1x16xf32> to vector<16xf32>
        %swap3A_470 = vector.shape_cast %get3A_463 : vector<16xf32> to vector<1x1x16xf32>
        tpu.vector_store %arg8[%swap3A_465, %swap3A_466, %swap3A_467], %swap3A_470 {add = true, strides = array<i32>} : memref<4x200x64xf32, #tpu.memory_space<vmem>>, vector<1x1x16xf32>,
        %get3A_471 = arith.index_cast %scan3A_448 : i32 to index
        %get3A_472 = arith.constant 32 : index
        %get3A_473 = tpu.vector_load %arg7[%get3A_471, %get3A_472] {strides = array<i32>} : memref<200x64xf32, #tpu.memory_space<vmem>>, vector<1x16xf32>,
        %get3A_474 = vector.shape_cast %get3A_473 : vector<1x16xf32> to vector<16xf32>
        %swap3A_475 = arith.constant 1 : i32
        %swap3A_476 = arith.index_cast %swap3A_475 : i32 to index
        %swap3A_477 = arith.index_cast %scan3A_448 : i32 to index
        %swap3A_478 = arith.constant 32 : index
        %swap3A_479 = tpu.vector_load %arg8[%swap3A_476, %swap3A_477, %swap3A_478] {strides = array<i32>} : memref<4x200x64xf32, #tpu.memory_space<vmem>>, vector<1x1x16xf32>,
        %swap3A_480 = vector.shape_cast %swap3A_479 : vector<1x1x16xf32> to vector<16xf32>
        %swap3A_481 = vector.shape_cast %get3A_474 : vector<16xf32> to vector<1x1x16xf32>
        tpu.vector_store %arg8[%swap3A_476, %swap3A_477, %swap3A_478], %swap3A_481 {add = true, strides = array<i32>} : memref<4x200x64xf32, #tpu.memory_space<vmem>>, vector<1x1x16xf32>,
        %get3A_482 = arith.index_cast %scan3A_448 : i32 to index
        %get3A_483 = arith.constant 48 : index
        %get3A_484 = tpu.vector_load %arg7[%get3A_482, %get3A_483] {strides = array<i32>} : memref<200x64xf32, #tpu.memory_space<vmem>>, vector<1x16xf32>,
        %get3A_485 = vector.shape_cast %get3A_484 : vector<1x16xf32> to vector<16xf32>
        %swap3A_486 = arith.constant 1 : i32
        %swap3A_487 = arith.index_cast %swap3A_486 : i32 to index
        %swap3A_488 = arith.index_cast %scan3A_448 : i32 to index
        %swap3A_489 = arith.constant 48 : index
        %swap3A_490 = tpu.vector_load %arg8[%swap3A_487, %swap3A_488, %swap3A_489] {strides = array<i32>} : memref<4x200x64xf32, #tpu.memory_space<vmem>>, vector<1x1x16xf32>,
        %swap3A_491 = vector.shape_cast %swap3A_490 : vector<1x1x16xf32> to vector<16xf32>
        %swap3A_492 = vector.shape_cast %get3A_485 : vector<16xf32> to vector<1x1x16xf32>
        tpu.vector_store %arg8[%swap3A_487, %swap3A_488, %swap3A_489], %swap3A_492 {add = true, strides = array<i32>} : memref<4x200x64xf32, #tpu.memory_space<vmem>>, vector<1x1x16xf32>,
      }
      %scan3A_183 = arith.constant 200 : i32
      %add3A_184 = arith.addi %mul3A_2, %add3A_148 : i32
      %dma_start3A_185 = arith.constant 1 : i32
      %dma_start3A_186 = arith.constant 0 : i32
      %dma_start3A_187 = arith.constant 0 : i32
      %dma_start3A_188 = tpu.memref_slice %arg8[%dma_start3A_185, %dma_start3A_186, %dma_start3A_187] : memref<4x200x64xf32, #tpu.memory_space<vmem>> -> memref<1x200x64xf32, #tpu.memory_space<vmem>>
      %dma_start3A_189 = tpu.memref_squeeze %dma_start3A_188 : memref<1x200x64xf32, #tpu.memory_space<vmem>> -> memref<200x64xf32, #tpu.memory_space<vmem>>
      %dma_start3A_190 = arith.constant 0 : i32
      %dma_start3A_191 = arith.constant 0 : i32
      %dma_start3A_192 = tpu.memref_slice %arg5[%add3A_184, %dma_start3A_190, %dma_start3A_191] : memref<4096x200x128xf32, #tpu.memory_space<hbm>> -> memref<1x200x64xf32, #tpu.memory_space<hbm>>
      %dma_start3A_193 = tpu.memref_squeeze %dma_start3A_192 : memref<1x200x64xf32, #tpu.memory_space<hbm>> -> memref<200x64xf32, #tpu.memory_space<hbm>>
      %dma_start3A_194 = arith.constant 0 : i32
      %dma_start3A_195 = arith.constant 0 : i32
      %dma_start3A_196 = tpu.memref_slice %arg5[%add3A_184, %dma_start3A_194, %dma_start3A_195] : memref<4096x200x128xf32, #tpu.memory_space<hbm>> -> memref<1x200x64xf32, #tpu.memory_space<hbm>>
      %dma_start3A_197 = tpu.memref_squeeze %dma_start3A_196 : memref<1x200x64xf32, #tpu.memory_space<hbm>> -> memref<200x64xf32, #tpu.memory_space<hbm>>
      %dma_start3A_198 = arith.constant 0 : i32
      %dma_start3A_199 = arith.constant 0 : i32
      %dma_start3A_200 = tpu.memref_slice %arg8[%dma_start3A_185, %dma_start3A_198, %dma_start3A_199] : memref<4x200x64xf32, #tpu.memory_space<vmem>> -> memref<1x200x64xf32, #tpu.memory_space<vmem>>
      %dma_start3A_201 = tpu.memref_squeeze %dma_start3A_200 : memref<1x200x64xf32, #tpu.memory_space<vmem>> -> memref<200x64xf32, #tpu.memory_space<vmem>>
      tpu.enqueue_dma source(%dma_start3A_201 : memref<200x64xf32, #tpu.memory_space<vmem>>) target(%dma_start3A_197 : memref<200x64xf32, #tpu.memory_space<hbm>>) target_semaphore(%arg14 : memref<!tpu.dma_semaphore, #tpu.memory_space<semaphore_mem>>)
      %add3A_202 = arith.constant 2 : i32
      %add3A_203 = arith.addi %mul3A_94, %add3A_202 : i32
      %add3A_204 = arith.constant 2 : i32
      %add3A_205 = arith.addi %add3A_203, %add3A_204 : i32
      %lt3A_206 = arith.constant 128 : i32
      %lt3A_207 = arith.cmpi slt, %add3A_205, %lt3A_206 : i32
      %convert_element_type3A_208 = arith.extui %lt3A_207 : i1 to i32
      %cond3A_209 = arith.constant 0 : i32
      %cond3A_210 = arith.cmpi ne, %convert_element_type3A_208, %cond3A_209 : i32
      scf.if %cond3A_210 {
        %ge3A = arith.constant 2 : i32
        %ge3A_312 = arith.cmpi sge, %add3A_203, %ge3A : i32
        %convert_element_type3A_313 = arith.extui %ge3A_312 : i1 to i32
        %cond3A_314 = arith.constant 0 : i32
        %cond3A_315 = arith.cmpi ne, %convert_element_type3A_313, %cond3A_314 : i32
        scf.if %cond3A_315 {
          %sub3A = arith.constant 2 : i32
          %sub3A_338 = arith.subi %add3A_203, %sub3A : i32
          %add3A_339 = arith.addi %mul3A_2, %sub3A_338 : i32
          %dma_wait3A_340 = arith.constant 0 : i32
          %dma_wait3A_341 = arith.constant 0 : i32
          %dma_wait3A_342 = arith.constant 0 : i32
          %dma_wait3A_343 = tpu.memref_slice %arg8[%dma_wait3A_340, %dma_wait3A_341, %dma_wait3A_342] : memref<4x200x64xf32, #tpu.memory_space<vmem>> -> memref<1x200x64xf32, #tpu.memory_space<vmem>>
          %dma_wait3A_344 = tpu.memref_squeeze %dma_wait3A_343 : memref<1x200x64xf32, #tpu.memory_space<vmem>> -> memref<200x64xf32, #tpu.memory_space<vmem>>
          %dma_wait3A_345 = arith.constant 0 : i32
          %dma_wait3A_346 = arith.constant 0 : i32
          %dma_wait3A_347 = tpu.memref_slice %arg5[%add3A_339, %dma_wait3A_345, %dma_wait3A_346] : memref<4096x200x128xf32, #tpu.memory_space<hbm>> -> memref<1x200x64xf32, #tpu.memory_space<hbm>>
          %dma_wait3A_348 = tpu.memref_squeeze %dma_wait3A_347 : memref<1x200x64xf32, #tpu.memory_space<hbm>> -> memref<200x64xf32, #tpu.memory_space<hbm>>
          %dma_wait3A_349 = arith.constant 0 : i32
          %dma_wait3A_350 = arith.constant 0 : i32
          %dma_wait3A_351 = tpu.memref_slice %arg5[%add3A_339, %dma_wait3A_349, %dma_wait3A_350] : memref<4096x200x128xf32, #tpu.memory_space<hbm>> -> memref<1x200x64xf32, #tpu.memory_space<hbm>>
          %dma_wait3A_352 = tpu.memref_squeeze %dma_wait3A_351 : memref<1x200x64xf32, #tpu.memory_space<hbm>> -> memref<200x64xf32, #tpu.memory_space<hbm>>
          %dma_wait3A_353 = arith.constant 0 : i32
          %dma_wait3A_354 = arith.constant 0 : i32
          %dma_wait3A_355 = tpu.memref_slice %arg8[%dma_wait3A_340, %dma_wait3A_353, %dma_wait3A_354] : memref<4x200x64xf32, #tpu.memory_space<vmem>> -> memref<1x200x64xf32, #tpu.memory_space<vmem>>
          %dma_wait3A_356 = tpu.memref_squeeze %dma_wait3A_355 : memref<1x200x64xf32, #tpu.memory_space<vmem>> -> memref<200x64xf32, #tpu.memory_space<vmem>>
          tpu.wait_dma2 semaphore(%arg13 : memref<!tpu.dma_semaphore, #tpu.memory_space<semaphore_mem>>) src(%dma_wait3A_356 : memref<200x64xf32, #tpu.memory_space<vmem>>) dst(%dma_wait3A_352 : memref<200x64xf32, #tpu.memory_space<hbm>>)
        } else {
        }
        %dma_start3A_316 = arith.constant 0 : i32
        %dma_start3A_317 = arith.constant 0 : i32
        %dma_start3A_318 = arith.constant 0 : i32
        %dma_start3A_319 = tpu.memref_slice %arg8[%dma_start3A_316, %dma_start3A_317, %dma_start3A_318] : memref<4x200x64xf32, #tpu.memory_space<vmem>> -> memref<1x128x64xf32, #tpu.memory_space<vmem>>
        %dma_start3A_320 = tpu.memref_squeeze %dma_start3A_319 : memref<1x128x64xf32, #tpu.memory_space<vmem>> -> memref<128x64xf32, #tpu.memory_space<vmem>>
        %dma_start3A_321 = arith.constant 0 : i32
        %dma_start3A_322 = tpu.memref_slice %arg6[%add3A_205, %dma_start3A_321] : memref<128x200xi32, #tpu.memory_space<vmem>> -> memref<1x128xi32, #tpu.memory_space<vmem>>
        %dma_start3A_323 = tpu.memref_squeeze %dma_start3A_322 : memref<1x128xi32, #tpu.memory_space<vmem>> -> memref<128xi32, #tpu.memory_space<vmem>>
        %dma_start3A_324 = arith.constant 0 : i32
        %dma_start3A_325 = arith.constant 0 : i32
        %dma_start3A_326 = tpu.memref_slice %arg3[%dma_start3A_324, %dma_start3A_325] : memref<2000000x64xf32, #tpu.memory_space<hbm>> -> memref<2000000x64xf32, #tpu.memory_space<hbm>>
        tpu.enqueue_indirect_dma source(%dma_start3A_326 : memref<2000000x64xf32, #tpu.memory_space<hbm>>) target(%dma_start3A_320 : memref<128x64xf32, #tpu.memory_space<vmem>>) offsets(%dma_start3A_323 : memref<128xi32, #tpu.memory_space<vmem>>) semaphore(%arg9 : memref<!tpu.dma_semaphore, #tpu.memory_space<semaphore_mem>>)
        %dma_start3A_327 = arith.constant 0 : i32
        %dma_start3A_328 = arith.constant 128 : i32
        %dma_start3A_329 = arith.constant 0 : i32
        %dma_start3A_330 = tpu.memref_slice %arg8[%dma_start3A_327, %dma_start3A_328, %dma_start3A_329] : memref<4x200x64xf32, #tpu.memory_space<vmem>> -> memref<1x72x64xf32, #tpu.memory_space<vmem>>
        %dma_start3A_331 = tpu.memref_squeeze %dma_start3A_330 : memref<1x72x64xf32, #tpu.memory_space<vmem>> -> memref<72x64xf32, #tpu.memory_space<vmem>>
        %dma_start3A_332 = arith.constant 128 : i32
        %dma_start3A_333 = tpu.memref_slice %arg6[%add3A_205, %dma_start3A_332] : memref<128x200xi32, #tpu.memory_space<vmem>> -> memref<1x72xi32, #tpu.memory_space<vmem>>
        %dma_start3A_334 = tpu.memref_squeeze %dma_start3A_333 : memref<1x72xi32, #tpu.memory_space<vmem>> -> memref<72xi32, #tpu.memory_space<vmem>>
        %dma_start3A_335 = arith.constant 0 : i32
        %dma_start3A_336 = arith.constant 0 : i32
        %dma_start3A_337 = tpu.memref_slice %arg3[%dma_start3A_335, %dma_start3A_336] : memref<2000000x64xf32, #tpu.memory_space<hbm>> -> memref<2000000x64xf32, #tpu.memory_space<hbm>>
        tpu.enqueue_indirect_dma source(%dma_start3A_337 : memref<2000000x64xf32, #tpu.memory_space<hbm>>) target(%dma_start3A_331 : memref<72x64xf32, #tpu.memory_space<vmem>>) offsets(%dma_start3A_334 : memref<72xi32, #tpu.memory_space<vmem>>) semaphore(%arg9 : memref<!tpu.dma_semaphore, #tpu.memory_space<semaphore_mem>>)
      } else {
      }
      %dma_wait3A_211 = arith.constant 2 : i32
      %dma_wait3A_212 = arith.constant 0 : i32
      %dma_wait3A_213 = arith.constant 0 : i32
      %dma_wait3A_214 = tpu.memref_slice %arg8[%dma_wait3A_211, %dma_wait3A_212, %dma_wait3A_213] : memref<4x200x64xf32, #tpu.memory_space<vmem>> -> memref<1x128x64xf32, #tpu.memory_space<vmem>>
      %dma_wait3A_215 = tpu.memref_squeeze %dma_wait3A_214 : memref<1x128x64xf32, #tpu.memory_space<vmem>> -> memref<128x64xf32, #tpu.memory_space<vmem>>
      %dma_wait3A_216 = arith.constant 0 : i32
      %dma_wait3A_217 = tpu.memref_slice %arg6[%add3A_203, %dma_wait3A_216] : memref<128x200xi32, #tpu.memory_space<vmem>> -> memref<1x128xi32, #tpu.memory_space<vmem>>
      %dma_wait3A_218 = tpu.memref_squeeze %dma_wait3A_217 : memref<1x128xi32, #tpu.memory_space<vmem>> -> memref<128xi32, #tpu.memory_space<vmem>>
      %dma_wait3A_219 = arith.constant 0 : i32
      %dma_wait3A_220 = arith.constant 0 : i32
      %dma_wait3A_221 = tpu.memref_slice %arg3[%dma_wait3A_219, %dma_wait3A_220] : memref<2000000x64xf32, #tpu.memory_space<hbm>> -> memref<2000000x64xf32, #tpu.memory_space<hbm>>
      tpu.wait_indirect_dma semaphore(%arg11 : memref<!tpu.dma_semaphore, #tpu.memory_space<semaphore_mem>>) src(%dma_wait3A_221 : memref<2000000x64xf32, #tpu.memory_space<hbm>>) dst(%dma_wait3A_215 : memref<128x64xf32, #tpu.memory_space<vmem>>)
      %dma_wait3A_222 = arith.constant 2 : i32
      %dma_wait3A_223 = arith.constant 128 : i32
      %dma_wait3A_224 = arith.constant 0 : i32
      %dma_wait3A_225 = tpu.memref_slice %arg8[%dma_wait3A_222, %dma_wait3A_223, %dma_wait3A_224] : memref<4x200x64xf32, #tpu.memory_space<vmem>> -> memref<1x72x64xf32, #tpu.memory_space<vmem>>
      %dma_wait3A_226 = tpu.memref_squeeze %dma_wait3A_225 : memref<1x72x64xf32, #tpu.memory_space<vmem>> -> memref<72x64xf32, #tpu.memory_space<vmem>>
      %dma_wait3A_227 = arith.constant 128 : i32
      %dma_wait3A_228 = tpu.memref_slice %arg6[%add3A_203, %dma_wait3A_227] : memref<128x200xi32, #tpu.memory_space<vmem>> -> memref<1x72xi32, #tpu.memory_space<vmem>>
      %dma_wait3A_229 = tpu.memref_squeeze %dma_wait3A_228 : memref<1x72xi32, #tpu.memory_space<vmem>> -> memref<72xi32, #tpu.memory_space<vmem>>
      %dma_wait3A_230 = arith.constant 0 : i32
      %dma_wait3A_231 = arith.constant 0 : i32
      %dma_wait3A_232 = tpu.memref_slice %arg3[%dma_wait3A_230, %dma_wait3A_231] : memref<2000000x64xf32, #tpu.memory_space<hbm>> -> memref<2000000x64xf32, #tpu.memory_space<hbm>>
      tpu.wait_indirect_dma semaphore(%arg11 : memref<!tpu.dma_semaphore, #tpu.memory_space<semaphore_mem>>) src(%dma_wait3A_232 : memref<2000000x64xf32, #tpu.memory_space<hbm>>) dst(%dma_wait3A_226 : memref<72x64xf32, #tpu.memory_space<vmem>>)
      %scan3A_233 = arith.constant 0 : i32
      %scan3A_234 = arith.constant 0 : i32
      %scan3A_235 = arith.constant 200 : i32
      %scan3A_236 = arith.addi %scan3A_234, %scan3A_235 : i32
      %scan3A_237 = arith.constant 4 : i32
      scf.for %scan3A_312 = %scan3A_234 to %scan3A_236 step %scan3A_237  : i32 {
        %get3A = arith.index_cast %scan3A_312 : i32 to index
        %get3A_313 = arith.constant 0 : index
        %get3A_314 = tpu.vector_load %arg7[%get3A, %get3A_313] {strides = array<i32>} : memref<200x64xf32, #tpu.memory_space<vmem>>, vector<1x16xf32>,
        %get3A_315 = vector.shape_cast %get3A_314 : vector<1x16xf32> to vector<16xf32>
        %swap3A = arith.constant 2 : i32
        %swap3A_316 = arith.index_cast %swap3A : i32 to index
        %swap3A_317 = arith.index_cast %scan3A_312 : i32 to index
        %swap3A_318 = arith.constant 0 : index
        %swap3A_319 = tpu.vector_load %arg8[%swap3A_316, %swap3A_317, %swap3A_318] {strides = array<i32>} : memref<4x200x64xf32, #tpu.memory_space<vmem>>, vector<1x1x16xf32>,
        %swap3A_320 = vector.shape_cast %swap3A_319 : vector<1x1x16xf32> to vector<16xf32>
        %swap3A_321 = vector.shape_cast %get3A_315 : vector<16xf32> to vector<1x1x16xf32>
        tpu.vector_store %arg8[%swap3A_316, %swap3A_317, %swap3A_318], %swap3A_321 {add = true, strides = array<i32>} : memref<4x200x64xf32, #tpu.memory_space<vmem>>, vector<1x1x16xf32>,
        %get3A_322 = arith.index_cast %scan3A_312 : i32 to index
        %get3A_323 = arith.constant 16 : index
        %get3A_324 = tpu.vector_load %arg7[%get3A_322, %get3A_323] {strides = array<i32>} : memref<200x64xf32, #tpu.memory_space<vmem>>, vector<1x16xf32>,
        %get3A_325 = vector.shape_cast %get3A_324 : vector<1x16xf32> to vector<16xf32>
        %swap3A_326 = arith.constant 2 : i32
        %swap3A_327 = arith.index_cast %swap3A_326 : i32 to index
        %swap3A_328 = arith.index_cast %scan3A_312 : i32 to index
        %swap3A_329 = arith.constant 16 : index
        %swap3A_330 = tpu.vector_load %arg8[%swap3A_327, %swap3A_328, %swap3A_329] {strides = array<i32>} : memref<4x200x64xf32, #tpu.memory_space<vmem>>, vector<1x1x16xf32>,
        %swap3A_331 = vector.shape_cast %swap3A_330 : vector<1x1x16xf32> to vector<16xf32>
        %swap3A_332 = vector.shape_cast %get3A_325 : vector<16xf32> to vector<1x1x16xf32>
        tpu.vector_store %arg8[%swap3A_327, %swap3A_328, %swap3A_329], %swap3A_332 {add = true, strides = array<i32>} : memref<4x200x64xf32, #tpu.memory_space<vmem>>, vector<1x1x16xf32>,
        %get3A_333 = arith.index_cast %scan3A_312 : i32 to index
        %get3A_334 = arith.constant 32 : index
        %get3A_335 = tpu.vector_load %arg7[%get3A_333, %get3A_334] {strides = array<i32>} : memref<200x64xf32, #tpu.memory_space<vmem>>, vector<1x16xf32>,
        %get3A_336 = vector.shape_cast %get3A_335 : vector<1x16xf32> to vector<16xf32>
        %swap3A_337 = arith.constant 2 : i32
        %swap3A_338 = arith.index_cast %swap3A_337 : i32 to index
        %swap3A_339 = arith.index_cast %scan3A_312 : i32 to index
        %swap3A_340 = arith.constant 32 : index
        %swap3A_341 = tpu.vector_load %arg8[%swap3A_338, %swap3A_339, %swap3A_340] {strides = array<i32>} : memref<4x200x64xf32, #tpu.memory_space<vmem>>, vector<1x1x16xf32>,
        %swap3A_342 = vector.shape_cast %swap3A_341 : vector<1x1x16xf32> to vector<16xf32>
        %swap3A_343 = vector.shape_cast %get3A_336 : vector<16xf32> to vector<1x1x16xf32>
        tpu.vector_store %arg8[%swap3A_338, %swap3A_339, %swap3A_340], %swap3A_343 {add = true, strides = array<i32>} : memref<4x200x64xf32, #tpu.memory_space<vmem>>, vector<1x1x16xf32>,
        %get3A_344 = arith.index_cast %scan3A_312 : i32 to index
        %get3A_345 = arith.constant 48 : index
        %get3A_346 = tpu.vector_load %arg7[%get3A_344, %get3A_345] {strides = array<i32>} : memref<200x64xf32, #tpu.memory_space<vmem>>, vector<1x16xf32>,
        %get3A_347 = vector.shape_cast %get3A_346 : vector<1x16xf32> to vector<16xf32>
        %swap3A_348 = arith.constant 2 : i32
        %swap3A_349 = arith.index_cast %swap3A_348 : i32 to index
        %swap3A_350 = arith.index_cast %scan3A_312 : i32 to index
        %swap3A_351 = arith.constant 48 : index
        %swap3A_352 = tpu.vector_load %arg8[%swap3A_349, %swap3A_350, %swap3A_351] {strides = array<i32>} : memref<4x200x64xf32, #tpu.memory_space<vmem>>, vector<1x1x16xf32>,
        %swap3A_353 = vector.shape_cast %swap3A_352 : vector<1x1x16xf32> to vector<16xf32>
        %swap3A_354 = vector.shape_cast %get3A_347 : vector<16xf32> to vector<1x1x16xf32>
        tpu.vector_store %arg8[%swap3A_349, %swap3A_350, %swap3A_351], %swap3A_354 {add = true, strides = array<i32>} : memref<4x200x64xf32, #tpu.memory_space<vmem>>, vector<1x1x16xf32>,
        %scan3A_355 = arith.constant 1 : i32
        %scan3A_356 = arith.addi %scan3A_312, %scan3A_355 : i32
        %get3A_357 = arith.index_cast %scan3A_356 : i32 to index
        %get3A_358 = arith.constant 0 : index
        %get3A_359 = tpu.vector_load %arg7[%get3A_357, %get3A_358] {strides = array<i32>} : memref<200x64xf32, #tpu.memory_space<vmem>>, vector<1x16xf32>,
        %get3A_360 = vector.shape_cast %get3A_359 : vector<1x16xf32> to vector<16xf32>
        %swap3A_361 = arith.constant 2 : i32
        %swap3A_362 = arith.index_cast %swap3A_361 : i32 to index
        %swap3A_363 = arith.index_cast %scan3A_356 : i32 to index
        %swap3A_364 = arith.constant 0 : index
        %swap3A_365 = tpu.vector_load %arg8[%swap3A_362, %swap3A_363, %swap3A_364] {strides = array<i32>} : memref<4x200x64xf32, #tpu.memory_space<vmem>>, vector<1x1x16xf32>,
        %swap3A_366 = vector.shape_cast %swap3A_365 : vector<1x1x16xf32> to vector<16xf32>
        %swap3A_367 = vector.shape_cast %get3A_360 : vector<16xf32> to vector<1x1x16xf32>
        tpu.vector_store %arg8[%swap3A_362, %swap3A_363, %swap3A_364], %swap3A_367 {add = true, strides = array<i32>} : memref<4x200x64xf32, #tpu.memory_space<vmem>>, vector<1x1x16xf32>,
        %get3A_368 = arith.index_cast %scan3A_356 : i32 to index
        %get3A_369 = arith.constant 16 : index
        %get3A_370 = tpu.vector_load %arg7[%get3A_368, %get3A_369] {strides = array<i32>} : memref<200x64xf32, #tpu.memory_space<vmem>>, vector<1x16xf32>,
        %get3A_371 = vector.shape_cast %get3A_370 : vector<1x16xf32> to vector<16xf32>
        %swap3A_372 = arith.constant 2 : i32
        %swap3A_373 = arith.index_cast %swap3A_372 : i32 to index
        %swap3A_374 = arith.index_cast %scan3A_356 : i32 to index
        %swap3A_375 = arith.constant 16 : index
        %swap3A_376 = tpu.vector_load %arg8[%swap3A_373, %swap3A_374, %swap3A_375] {strides = array<i32>} : memref<4x200x64xf32, #tpu.memory_space<vmem>>, vector<1x1x16xf32>,
        %swap3A_377 = vector.shape_cast %swap3A_376 : vector<1x1x16xf32> to vector<16xf32>
        %swap3A_378 = vector.shape_cast %get3A_371 : vector<16xf32> to vector<1x1x16xf32>
        tpu.vector_store %arg8[%swap3A_373, %swap3A_374, %swap3A_375], %swap3A_378 {add = true, strides = array<i32>} : memref<4x200x64xf32, #tpu.memory_space<vmem>>, vector<1x1x16xf32>,
        %get3A_379 = arith.index_cast %scan3A_356 : i32 to index
        %get3A_380 = arith.constant 32 : index
        %get3A_381 = tpu.vector_load %arg7[%get3A_379, %get3A_380] {strides = array<i32>} : memref<200x64xf32, #tpu.memory_space<vmem>>, vector<1x16xf32>,
        %get3A_382 = vector.shape_cast %get3A_381 : vector<1x16xf32> to vector<16xf32>
        %swap3A_383 = arith.constant 2 : i32
        %swap3A_384 = arith.index_cast %swap3A_383 : i32 to index
        %swap3A_385 = arith.index_cast %scan3A_356 : i32 to index
        %swap3A_386 = arith.constant 32 : index
        %swap3A_387 = tpu.vector_load %arg8[%swap3A_384, %swap3A_385, %swap3A_386] {strides = array<i32>} : memref<4x200x64xf32, #tpu.memory_space<vmem>>, vector<1x1x16xf32>,
        %swap3A_388 = vector.shape_cast %swap3A_387 : vector<1x1x16xf32> to vector<16xf32>
        %swap3A_389 = vector.shape_cast %get3A_382 : vector<16xf32> to vector<1x1x16xf32>
        tpu.vector_store %arg8[%swap3A_384, %swap3A_385, %swap3A_386], %swap3A_389 {add = true, strides = array<i32>} : memref<4x200x64xf32, #tpu.memory_space<vmem>>, vector<1x1x16xf32>,
        %get3A_390 = arith.index_cast %scan3A_356 : i32 to index
        %get3A_391 = arith.constant 48 : index
        %get3A_392 = tpu.vector_load %arg7[%get3A_390, %get3A_391] {strides = array<i32>} : memref<200x64xf32, #tpu.memory_space<vmem>>, vector<1x16xf32>,
        %get3A_393 = vector.shape_cast %get3A_392 : vector<1x16xf32> to vector<16xf32>
        %swap3A_394 = arith.constant 2 : i32
        %swap3A_395 = arith.index_cast %swap3A_394 : i32 to index
        %swap3A_396 = arith.index_cast %scan3A_356 : i32 to index
        %swap3A_397 = arith.constant 48 : index
        %swap3A_398 = tpu.vector_load %arg8[%swap3A_395, %swap3A_396, %swap3A_397] {strides = array<i32>} : memref<4x200x64xf32, #tpu.memory_space<vmem>>, vector<1x1x16xf32>,
        %swap3A_399 = vector.shape_cast %swap3A_398 : vector<1x1x16xf32> to vector<16xf32>
        %swap3A_400 = vector.shape_cast %get3A_393 : vector<16xf32> to vector<1x1x16xf32>
        tpu.vector_store %arg8[%swap3A_395, %swap3A_396, %swap3A_397], %swap3A_400 {add = true, strides = array<i32>} : memref<4x200x64xf32, #tpu.memory_space<vmem>>, vector<1x1x16xf32>,
        %scan3A_401 = arith.constant 2 : i32
        %scan3A_402 = arith.addi %scan3A_312, %scan3A_401 : i32
        %get3A_403 = arith.index_cast %scan3A_402 : i32 to index
        %get3A_404 = arith.constant 0 : index
        %get3A_405 = tpu.vector_load %arg7[%get3A_403, %get3A_404] {strides = array<i32>} : memref<200x64xf32, #tpu.memory_space<vmem>>, vector<1x16xf32>,
        %get3A_406 = vector.shape_cast %get3A_405 : vector<1x16xf32> to vector<16xf32>
        %swap3A_407 = arith.constant 2 : i32
        %swap3A_408 = arith.index_cast %swap3A_407 : i32 to index
        %swap3A_409 = arith.index_cast %scan3A_402 : i32 to index
        %swap3A_410 = arith.constant 0 : index
        %swap3A_411 = tpu.vector_load %arg8[%swap3A_408, %swap3A_409, %swap3A_410] {strides = array<i32>} : memref<4x200x64xf32, #tpu.memory_space<vmem>>, vector<1x1x16xf32>,
        %swap3A_412 = vector.shape_cast %swap3A_411 : vector<1x1x16xf32> to vector<16xf32>
        %swap3A_413 = vector.shape_cast %get3A_406 : vector<16xf32> to vector<1x1x16xf32>
        tpu.vector_store %arg8[%swap3A_408, %swap3A_409, %swap3A_410], %swap3A_413 {add = true, strides = array<i32>} : memref<4x200x64xf32, #tpu.memory_space<vmem>>, vector<1x1x16xf32>,
        %get3A_414 = arith.index_cast %scan3A_402 : i32 to index
        %get3A_415 = arith.constant 16 : index
        %get3A_416 = tpu.vector_load %arg7[%get3A_414, %get3A_415] {strides = array<i32>} : memref<200x64xf32, #tpu.memory_space<vmem>>, vector<1x16xf32>,
        %get3A_417 = vector.shape_cast %get3A_416 : vector<1x16xf32> to vector<16xf32>
        %swap3A_418 = arith.constant 2 : i32
        %swap3A_419 = arith.index_cast %swap3A_418 : i32 to index
        %swap3A_420 = arith.index_cast %scan3A_402 : i32 to index
        %swap3A_421 = arith.constant 16 : index
        %swap3A_422 = tpu.vector_load %arg8[%swap3A_419, %swap3A_420, %swap3A_421] {strides = array<i32>} : memref<4x200x64xf32, #tpu.memory_space<vmem>>, vector<1x1x16xf32>,
        %swap3A_423 = vector.shape_cast %swap3A_422 : vector<1x1x16xf32> to vector<16xf32>
        %swap3A_424 = vector.shape_cast %get3A_417 : vector<16xf32> to vector<1x1x16xf32>
        tpu.vector_store %arg8[%swap3A_419, %swap3A_420, %swap3A_421], %swap3A_424 {add = true, strides = array<i32>} : memref<4x200x64xf32, #tpu.memory_space<vmem>>, vector<1x1x16xf32>,
        %get3A_425 = arith.index_cast %scan3A_402 : i32 to index
        %get3A_426 = arith.constant 32 : index
        %get3A_427 = tpu.vector_load %arg7[%get3A_425, %get3A_426] {strides = array<i32>} : memref<200x64xf32, #tpu.memory_space<vmem>>, vector<1x16xf32>,
        %get3A_428 = vector.shape_cast %get3A_427 : vector<1x16xf32> to vector<16xf32>
        %swap3A_429 = arith.constant 2 : i32
        %swap3A_430 = arith.index_cast %swap3A_429 : i32 to index
        %swap3A_431 = arith.index_cast %scan3A_402 : i32 to index
        %swap3A_432 = arith.constant 32 : index
        %swap3A_433 = tpu.vector_load %arg8[%swap3A_430, %swap3A_431, %swap3A_432] {strides = array<i32>} : memref<4x200x64xf32, #tpu.memory_space<vmem>>, vector<1x1x16xf32>,
        %swap3A_434 = vector.shape_cast %swap3A_433 : vector<1x1x16xf32> to vector<16xf32>
        %swap3A_435 = vector.shape_cast %get3A_428 : vector<16xf32> to vector<1x1x16xf32>
        tpu.vector_store %arg8[%swap3A_430, %swap3A_431, %swap3A_432], %swap3A_435 {add = true, strides = array<i32>} : memref<4x200x64xf32, #tpu.memory_space<vmem>>, vector<1x1x16xf32>,
        %get3A_436 = arith.index_cast %scan3A_402 : i32 to index
        %get3A_437 = arith.constant 48 : index
        %get3A_438 = tpu.vector_load %arg7[%get3A_436, %get3A_437] {strides = array<i32>} : memref<200x64xf32, #tpu.memory_space<vmem>>, vector<1x16xf32>,
        %get3A_439 = vector.shape_cast %get3A_438 : vector<1x16xf32> to vector<16xf32>
        %swap3A_440 = arith.constant 2 : i32
        %swap3A_441 = arith.index_cast %swap3A_440 : i32 to index
        %swap3A_442 = arith.index_cast %scan3A_402 : i32 to index
        %swap3A_443 = arith.constant 48 : index
        %swap3A_444 = tpu.vector_load %arg8[%swap3A_441, %swap3A_442, %swap3A_443] {strides = array<i32>} : memref<4x200x64xf32, #tpu.memory_space<vmem>>, vector<1x1x16xf32>,
        %swap3A_445 = vector.shape_cast %swap3A_444 : vector<1x1x16xf32> to vector<16xf32>
        %swap3A_446 = vector.shape_cast %get3A_439 : vector<16xf32> to vector<1x1x16xf32>
        tpu.vector_store %arg8[%swap3A_441, %swap3A_442, %swap3A_443], %swap3A_446 {add = true, strides = array<i32>} : memref<4x200x64xf32, #tpu.memory_space<vmem>>, vector<1x1x16xf32>,
        %scan3A_447 = arith.constant 3 : i32
        %scan3A_448 = arith.addi %scan3A_312, %scan3A_447 : i32
        %get3A_449 = arith.index_cast %scan3A_448 : i32 to index
        %get3A_450 = arith.constant 0 : index
        %get3A_451 = tpu.vector_load %arg7[%get3A_449, %get3A_450] {strides = array<i32>} : memref<200x64xf32, #tpu.memory_space<vmem>>, vector<1x16xf32>,
        %get3A_452 = vector.shape_cast %get3A_451 : vector<1x16xf32> to vector<16xf32>
        %swap3A_453 = arith.constant 2 : i32
        %swap3A_454 = arith.index_cast %swap3A_453 : i32 to index
        %swap3A_455 = arith.index_cast %scan3A_448 : i32 to index
        %swap3A_456 = arith.constant 0 : index
        %swap3A_457 = tpu.vector_load %arg8[%swap3A_454, %swap3A_455, %swap3A_456] {strides = array<i32>} : memref<4x200x64xf32, #tpu.memory_space<vmem>>, vector<1x1x16xf32>,
        %swap3A_458 = vector.shape_cast %swap3A_457 : vector<1x1x16xf32> to vector<16xf32>
        %swap3A_459 = vector.shape_cast %get3A_452 : vector<16xf32> to vector<1x1x16xf32>
        tpu.vector_store %arg8[%swap3A_454, %swap3A_455, %swap3A_456], %swap3A_459 {add = true, strides = array<i32>} : memref<4x200x64xf32, #tpu.memory_space<vmem>>, vector<1x1x16xf32>,
        %get3A_460 = arith.index_cast %scan3A_448 : i32 to index
        %get3A_461 = arith.constant 16 : index
        %get3A_462 = tpu.vector_load %arg7[%get3A_460, %get3A_461] {strides = array<i32>} : memref<200x64xf32, #tpu.memory_space<vmem>>, vector<1x16xf32>,
        %get3A_463 = vector.shape_cast %get3A_462 : vector<1x16xf32> to vector<16xf32>
        %swap3A_464 = arith.constant 2 : i32
        %swap3A_465 = arith.index_cast %swap3A_464 : i32 to index
        %swap3A_466 = arith.index_cast %scan3A_448 : i32 to index
        %swap3A_467 = arith.constant 16 : index
        %swap3A_468 = tpu.vector_load %arg8[%swap3A_465, %swap3A_466, %swap3A_467] {strides = array<i32>} : memref<4x200x64xf32, #tpu.memory_space<vmem>>, vector<1x1x16xf32>,
        %swap3A_469 = vector.shape_cast %swap3A_468 : vector<1x1x16xf32> to vector<16xf32>
        %swap3A_470 = vector.shape_cast %get3A_463 : vector<16xf32> to vector<1x1x16xf32>
        tpu.vector_store %arg8[%swap3A_465, %swap3A_466, %swap3A_467], %swap3A_470 {add = true, strides = array<i32>} : memref<4x200x64xf32, #tpu.memory_space<vmem>>, vector<1x1x16xf32>,
        %get3A_471 = arith.index_cast %scan3A_448 : i32 to index
        %get3A_472 = arith.constant 32 : index
        %get3A_473 = tpu.vector_load %arg7[%get3A_471, %get3A_472] {strides = array<i32>} : memref<200x64xf32, #tpu.memory_space<vmem>>, vector<1x16xf32>,
        %get3A_474 = vector.shape_cast %get3A_473 : vector<1x16xf32> to vector<16xf32>
        %swap3A_475 = arith.constant 2 : i32
        %swap3A_476 = arith.index_cast %swap3A_475 : i32 to index
        %swap3A_477 = arith.index_cast %scan3A_448 : i32 to index
        %swap3A_478 = arith.constant 32 : index
        %swap3A_479 = tpu.vector_load %arg8[%swap3A_476, %swap3A_477, %swap3A_478] {strides = array<i32>} : memref<4x200x64xf32, #tpu.memory_space<vmem>>, vector<1x1x16xf32>,
        %swap3A_480 = vector.shape_cast %swap3A_479 : vector<1x1x16xf32> to vector<16xf32>
        %swap3A_481 = vector.shape_cast %get3A_474 : vector<16xf32> to vector<1x1x16xf32>
        tpu.vector_store %arg8[%swap3A_476, %swap3A_477, %swap3A_478], %swap3A_481 {add = true, strides = array<i32>} : memref<4x200x64xf32, #tpu.memory_space<vmem>>, vector<1x1x16xf32>,
        %get3A_482 = arith.index_cast %scan3A_448 : i32 to index
        %get3A_483 = arith.constant 48 : index
        %get3A_484 = tpu.vector_load %arg7[%get3A_482, %get3A_483] {strides = array<i32>} : memref<200x64xf32, #tpu.memory_space<vmem>>, vector<1x16xf32>,
        %get3A_485 = vector.shape_cast %get3A_484 : vector<1x16xf32> to vector<16xf32>
        %swap3A_486 = arith.constant 2 : i32
        %swap3A_487 = arith.index_cast %swap3A_486 : i32 to index
        %swap3A_488 = arith.index_cast %scan3A_448 : i32 to index
        %swap3A_489 = arith.constant 48 : index
        %swap3A_490 = tpu.vector_load %arg8[%swap3A_487, %swap3A_488, %swap3A_489] {strides = array<i32>} : memref<4x200x64xf32, #tpu.memory_space<vmem>>, vector<1x1x16xf32>,
        %swap3A_491 = vector.shape_cast %swap3A_490 : vector<1x1x16xf32> to vector<16xf32>
        %swap3A_492 = vector.shape_cast %get3A_485 : vector<16xf32> to vector<1x1x16xf32>
        tpu.vector_store %arg8[%swap3A_487, %swap3A_488, %swap3A_489], %swap3A_492 {add = true, strides = array<i32>} : memref<4x200x64xf32, #tpu.memory_space<vmem>>, vector<1x1x16xf32>,
      }
      %scan3A_238 = arith.constant 200 : i32
      %add3A_239 = arith.addi %mul3A_2, %add3A_203 : i32
      %dma_start3A_240 = arith.constant 2 : i32
      %dma_start3A_241 = arith.constant 0 : i32
      %dma_start3A_242 = arith.constant 0 : i32
      %dma_start3A_243 = tpu.memref_slice %arg8[%dma_start3A_240, %dma_start3A_241, %dma_start3A_242] : memref<4x200x64xf32, #tpu.memory_space<vmem>> -> memref<1x200x64xf32, #tpu.memory_space<vmem>>
      %dma_start3A_244 = tpu.memref_squeeze %dma_start3A_243 : memref<1x200x64xf32, #tpu.memory_space<vmem>> -> memref<200x64xf32, #tpu.memory_space<vmem>>
      %dma_start3A_245 = arith.constant 0 : i32
      %dma_start3A_246 = arith.constant 0 : i32
      %dma_start3A_247 = tpu.memref_slice %arg5[%add3A_239, %dma_start3A_245, %dma_start3A_246] : memref<4096x200x128xf32, #tpu.memory_space<hbm>> -> memref<1x200x64xf32, #tpu.memory_space<hbm>>
      %dma_start3A_248 = tpu.memref_squeeze %dma_start3A_247 : memref<1x200x64xf32, #tpu.memory_space<hbm>> -> memref<200x64xf32, #tpu.memory_space<hbm>>
      %dma_start3A_249 = arith.constant 0 : i32
      %dma_start3A_250 = arith.constant 0 : i32
      %dma_start3A_251 = tpu.memref_slice %arg5[%add3A_239, %dma_start3A_249, %dma_start3A_250] : memref<4096x200x128xf32, #tpu.memory_space<hbm>> -> memref<1x200x64xf32, #tpu.memory_space<hbm>>
      %dma_start3A_252 = tpu.memref_squeeze %dma_start3A_251 : memref<1x200x64xf32, #tpu.memory_space<hbm>> -> memref<200x64xf32, #tpu.memory_space<hbm>>
      %dma_start3A_253 = arith.constant 0 : i32
      %dma_start3A_254 = arith.constant 0 : i32
      %dma_start3A_255 = tpu.memref_slice %arg8[%dma_start3A_240, %dma_start3A_253, %dma_start3A_254] : memref<4x200x64xf32, #tpu.memory_space<vmem>> -> memref<1x200x64xf32, #tpu.memory_space<vmem>>
      %dma_start3A_256 = tpu.memref_squeeze %dma_start3A_255 : memref<1x200x64xf32, #tpu.memory_space<vmem>> -> memref<200x64xf32, #tpu.memory_space<vmem>>
      tpu.enqueue_dma source(%dma_start3A_256 : memref<200x64xf32, #tpu.memory_space<vmem>>) target(%dma_start3A_252 : memref<200x64xf32, #tpu.memory_space<hbm>>) target_semaphore(%arg15 : memref<!tpu.dma_semaphore, #tpu.memory_space<semaphore_mem>>)
      %add3A_257 = arith.constant 3 : i32
      %add3A_258 = arith.addi %mul3A_94, %add3A_257 : i32
      %add3A_259 = arith.constant 2 : i32
      %add3A_260 = arith.addi %add3A_258, %add3A_259 : i32
      %lt3A_261 = arith.constant 128 : i32
      %lt3A_262 = arith.cmpi slt, %add3A_260, %lt3A_261 : i32
      %convert_element_type3A_263 = arith.extui %lt3A_262 : i1 to i32
      %cond3A_264 = arith.constant 0 : i32
      %cond3A_265 = arith.cmpi ne, %convert_element_type3A_263, %cond3A_264 : i32
      scf.if %cond3A_265 {
        %ge3A = arith.constant 2 : i32
        %ge3A_312 = arith.cmpi sge, %add3A_258, %ge3A : i32
        %convert_element_type3A_313 = arith.extui %ge3A_312 : i1 to i32
        %cond3A_314 = arith.constant 0 : i32
        %cond3A_315 = arith.cmpi ne, %convert_element_type3A_313, %cond3A_314 : i32
        scf.if %cond3A_315 {
          %sub3A = arith.constant 2 : i32
          %sub3A_338 = arith.subi %add3A_258, %sub3A : i32
          %add3A_339 = arith.addi %mul3A_2, %sub3A_338 : i32
          %dma_wait3A_340 = arith.constant 1 : i32
          %dma_wait3A_341 = arith.constant 0 : i32
          %dma_wait3A_342 = arith.constant 0 : i32
          %dma_wait3A_343 = tpu.memref_slice %arg8[%dma_wait3A_340, %dma_wait3A_341, %dma_wait3A_342] : memref<4x200x64xf32, #tpu.memory_space<vmem>> -> memref<1x200x64xf32, #tpu.memory_space<vmem>>
          %dma_wait3A_344 = tpu.memref_squeeze %dma_wait3A_343 : memref<1x200x64xf32, #tpu.memory_space<vmem>> -> memref<200x64xf32, #tpu.memory_space<vmem>>
          %dma_wait3A_345 = arith.constant 0 : i32
          %dma_wait3A_346 = arith.constant 0 : i32
          %dma_wait3A_347 = tpu.memref_slice %arg5[%add3A_339, %dma_wait3A_345, %dma_wait3A_346] : memref<4096x200x128xf32, #tpu.memory_space<hbm>> -> memref<1x200x64xf32, #tpu.memory_space<hbm>>
          %dma_wait3A_348 = tpu.memref_squeeze %dma_wait3A_347 : memref<1x200x64xf32, #tpu.memory_space<hbm>> -> memref<200x64xf32, #tpu.memory_space<hbm>>
          %dma_wait3A_349 = arith.constant 0 : i32
          %dma_wait3A_350 = arith.constant 0 : i32
          %dma_wait3A_351 = tpu.memref_slice %arg5[%add3A_339, %dma_wait3A_349, %dma_wait3A_350] : memref<4096x200x128xf32, #tpu.memory_space<hbm>> -> memref<1x200x64xf32, #tpu.memory_space<hbm>>
          %dma_wait3A_352 = tpu.memref_squeeze %dma_wait3A_351 : memref<1x200x64xf32, #tpu.memory_space<hbm>> -> memref<200x64xf32, #tpu.memory_space<hbm>>
          %dma_wait3A_353 = arith.constant 0 : i32
          %dma_wait3A_354 = arith.constant 0 : i32
          %dma_wait3A_355 = tpu.memref_slice %arg8[%dma_wait3A_340, %dma_wait3A_353, %dma_wait3A_354] : memref<4x200x64xf32, #tpu.memory_space<vmem>> -> memref<1x200x64xf32, #tpu.memory_space<vmem>>
          %dma_wait3A_356 = tpu.memref_squeeze %dma_wait3A_355 : memref<1x200x64xf32, #tpu.memory_space<vmem>> -> memref<200x64xf32, #tpu.memory_space<vmem>>
          tpu.wait_dma2 semaphore(%arg14 : memref<!tpu.dma_semaphore, #tpu.memory_space<semaphore_mem>>) src(%dma_wait3A_356 : memref<200x64xf32, #tpu.memory_space<vmem>>) dst(%dma_wait3A_352 : memref<200x64xf32, #tpu.memory_space<hbm>>)
        } else {
        }
        %dma_start3A_316 = arith.constant 1 : i32
        %dma_start3A_317 = arith.constant 0 : i32
        %dma_start3A_318 = arith.constant 0 : i32
        %dma_start3A_319 = tpu.memref_slice %arg8[%dma_start3A_316, %dma_start3A_317, %dma_start3A_318] : memref<4x200x64xf32, #tpu.memory_space<vmem>> -> memref<1x128x64xf32, #tpu.memory_space<vmem>>
        %dma_start3A_320 = tpu.memref_squeeze %dma_start3A_319 : memref<1x128x64xf32, #tpu.memory_space<vmem>> -> memref<128x64xf32, #tpu.memory_space<vmem>>
        %dma_start3A_321 = arith.constant 0 : i32
        %dma_start3A_322 = tpu.memref_slice %arg6[%add3A_260, %dma_start3A_321] : memref<128x200xi32, #tpu.memory_space<vmem>> -> memref<1x128xi32, #tpu.memory_space<vmem>>
        %dma_start3A_323 = tpu.memref_squeeze %dma_start3A_322 : memref<1x128xi32, #tpu.memory_space<vmem>> -> memref<128xi32, #tpu.memory_space<vmem>>
        %dma_start3A_324 = arith.constant 0 : i32
        %dma_start3A_325 = arith.constant 0 : i32
        %dma_start3A_326 = tpu.memref_slice %arg3[%dma_start3A_324, %dma_start3A_325] : memref<2000000x64xf32, #tpu.memory_space<hbm>> -> memref<2000000x64xf32, #tpu.memory_space<hbm>>
        tpu.enqueue_indirect_dma source(%dma_start3A_326 : memref<2000000x64xf32, #tpu.memory_space<hbm>>) target(%dma_start3A_320 : memref<128x64xf32, #tpu.memory_space<vmem>>) offsets(%dma_start3A_323 : memref<128xi32, #tpu.memory_space<vmem>>) semaphore(%arg10 : memref<!tpu.dma_semaphore, #tpu.memory_space<semaphore_mem>>)
        %dma_start3A_327 = arith.constant 1 : i32
        %dma_start3A_328 = arith.constant 128 : i32
        %dma_start3A_329 = arith.constant 0 : i32
        %dma_start3A_330 = tpu.memref_slice %arg8[%dma_start3A_327, %dma_start3A_328, %dma_start3A_329] : memref<4x200x64xf32, #tpu.memory_space<vmem>> -> memref<1x72x64xf32, #tpu.memory_space<vmem>>
        %dma_start3A_331 = tpu.memref_squeeze %dma_start3A_330 : memref<1x72x64xf32, #tpu.memory_space<vmem>> -> memref<72x64xf32, #tpu.memory_space<vmem>>
        %dma_start3A_332 = arith.constant 128 : i32
        %dma_start3A_333 = tpu.memref_slice %arg6[%add3A_260, %dma_start3A_332] : memref<128x200xi32, #tpu.memory_space<vmem>> -> memref<1x72xi32, #tpu.memory_space<vmem>>
        %dma_start3A_334 = tpu.memref_squeeze %dma_start3A_333 : memref<1x72xi32, #tpu.memory_space<vmem>> -> memref<72xi32, #tpu.memory_space<vmem>>
        %dma_start3A_335 = arith.constant 0 : i32
        %dma_start3A_336 = arith.constant 0 : i32
        %dma_start3A_337 = tpu.memref_slice %arg3[%dma_start3A_335, %dma_start3A_336] : memref<2000000x64xf32, #tpu.memory_space<hbm>> -> memref<2000000x64xf32, #tpu.memory_space<hbm>>
        tpu.enqueue_indirect_dma source(%dma_start3A_337 : memref<2000000x64xf32, #tpu.memory_space<hbm>>) target(%dma_start3A_331 : memref<72x64xf32, #tpu.memory_space<vmem>>) offsets(%dma_start3A_334 : memref<72xi32, #tpu.memory_space<vmem>>) semaphore(%arg10 : memref<!tpu.dma_semaphore, #tpu.memory_space<semaphore_mem>>)
      } else {
      }
      %dma_wait3A_266 = arith.constant 3 : i32
      %dma_wait3A_267 = arith.constant 0 : i32
      %dma_wait3A_268 = arith.constant 0 : i32
      %dma_wait3A_269 = tpu.memref_slice %arg8[%dma_wait3A_266, %dma_wait3A_267, %dma_wait3A_268] : memref<4x200x64xf32, #tpu.memory_space<vmem>> -> memref<1x128x64xf32, #tpu.memory_space<vmem>>
      %dma_wait3A_270 = tpu.memref_squeeze %dma_wait3A_269 : memref<1x128x64xf32, #tpu.memory_space<vmem>> -> memref<128x64xf32, #tpu.memory_space<vmem>>
      %dma_wait3A_271 = arith.constant 0 : i32
      %dma_wait3A_272 = tpu.memref_slice %arg6[%add3A_258, %dma_wait3A_271] : memref<128x200xi32, #tpu.memory_space<vmem>> -> memref<1x128xi32, #tpu.memory_space<vmem>>
      %dma_wait3A_273 = tpu.memref_squeeze %dma_wait3A_272 : memref<1x128xi32, #tpu.memory_space<vmem>> -> memref<128xi32, #tpu.memory_space<vmem>>
      %dma_wait3A_274 = arith.constant 0 : i32
      %dma_wait3A_275 = arith.constant 0 : i32
      %dma_wait3A_276 = tpu.memref_slice %arg3[%dma_wait3A_274, %dma_wait3A_275] : memref<2000000x64xf32, #tpu.memory_space<hbm>> -> memref<2000000x64xf32, #tpu.memory_space<hbm>>
      tpu.wait_indirect_dma semaphore(%arg12 : memref<!tpu.dma_semaphore, #tpu.memory_space<semaphore_mem>>) src(%dma_wait3A_276 : memref<2000000x64xf32, #tpu.memory_space<hbm>>) dst(%dma_wait3A_270 : memref<128x64xf32, #tpu.memory_space<vmem>>)
      %dma_wait3A_277 = arith.constant 3 : i32
      %dma_wait3A_278 = arith.constant 128 : i32
      %dma_wait3A_279 = arith.constant 0 : i32
      %dma_wait3A_280 = tpu.memref_slice %arg8[%dma_wait3A_277, %dma_wait3A_278, %dma_wait3A_279] : memref<4x200x64xf32, #tpu.memory_space<vmem>> -> memref<1x72x64xf32, #tpu.memory_space<vmem>>
      %dma_wait3A_281 = tpu.memref_squeeze %dma_wait3A_280 : memref<1x72x64xf32, #tpu.memory_space<vmem>> -> memref<72x64xf32, #tpu.memory_space<vmem>>
      %dma_wait3A_282 = arith.constant 128 : i32
      %dma_wait3A_283 = tpu.memref_slice %arg6[%add3A_258, %dma_wait3A_282] : memref<128x200xi32, #tpu.memory_space<vmem>> -> memref<1x72xi32, #tpu.memory_space<vmem>>
      %dma_wait3A_284 = tpu.memref_squeeze %dma_wait3A_283 : memref<1x72xi32, #tpu.memory_space<vmem>> -> memref<72xi32, #tpu.memory_space<vmem>>
      %dma_wait3A_285 = arith.constant 0 : i32
      %dma_wait3A_286 = arith.constant 0 : i32
      %dma_wait3A_287 = tpu.memref_slice %arg3[%dma_wait3A_285, %dma_wait3A_286] : memref<2000000x64xf32, #tpu.memory_space<hbm>> -> memref<2000000x64xf32, #tpu.memory_space<hbm>>
      tpu.wait_indirect_dma semaphore(%arg12 : memref<!tpu.dma_semaphore, #tpu.memory_space<semaphore_mem>>) src(%dma_wait3A_287 : memref<2000000x64xf32, #tpu.memory_space<hbm>>) dst(%dma_wait3A_281 : memref<72x64xf32, #tpu.memory_space<vmem>>)
      %scan3A_288 = arith.constant 0 : i32
      %scan3A_289 = arith.constant 0 : i32
      %scan3A_290 = arith.constant 200 : i32
      %scan3A_291 = arith.addi %scan3A_289, %scan3A_290 : i32
      %scan3A_292 = arith.constant 4 : i32
      scf.for %scan3A_312 = %scan3A_289 to %scan3A_291 step %scan3A_292  : i32 {
        %get3A = arith.index_cast %scan3A_312 : i32 to index
        %get3A_313 = arith.constant 0 : index
        %get3A_314 = tpu.vector_load %arg7[%get3A, %get3A_313] {strides = array<i32>} : memref<200x64xf32, #tpu.memory_space<vmem>>, vector<1x16xf32>,
        %get3A_315 = vector.shape_cast %get3A_314 : vector<1x16xf32> to vector<16xf32>
        %swap3A = arith.constant 3 : i32
        %swap3A_316 = arith.index_cast %swap3A : i32 to index
        %swap3A_317 = arith.index_cast %scan3A_312 : i32 to index
        %swap3A_318 = arith.constant 0 : index
        %swap3A_319 = tpu.vector_load %arg8[%swap3A_316, %swap3A_317, %swap3A_318] {strides = array<i32>} : memref<4x200x64xf32, #tpu.memory_space<vmem>>, vector<1x1x16xf32>,
        %swap3A_320 = vector.shape_cast %swap3A_319 : vector<1x1x16xf32> to vector<16xf32>
        %swap3A_321 = vector.shape_cast %get3A_315 : vector<16xf32> to vector<1x1x16xf32>
        tpu.vector_store %arg8[%swap3A_316, %swap3A_317, %swap3A_318], %swap3A_321 {add = true, strides = array<i32>} : memref<4x200x64xf32, #tpu.memory_space<vmem>>, vector<1x1x16xf32>,
        %get3A_322 = arith.index_cast %scan3A_312 : i32 to index
        %get3A_323 = arith.constant 16 : index
        %get3A_324 = tpu.vector_load %arg7[%get3A_322, %get3A_323] {strides = array<i32>} : memref<200x64xf32, #tpu.memory_space<vmem>>, vector<1x16xf32>,
        %get3A_325 = vector.shape_cast %get3A_324 : vector<1x16xf32> to vector<16xf32>
        %swap3A_326 = arith.constant 3 : i32
        %swap3A_327 = arith.index_cast %swap3A_326 : i32 to index
        %swap3A_328 = arith.index_cast %scan3A_312 : i32 to index
        %swap3A_329 = arith.constant 16 : index
        %swap3A_330 = tpu.vector_load %arg8[%swap3A_327, %swap3A_328, %swap3A_329] {strides = array<i32>} : memref<4x200x64xf32, #tpu.memory_space<vmem>>, vector<1x1x16xf32>,
        %swap3A_331 = vector.shape_cast %swap3A_330 : vector<1x1x16xf32> to vector<16xf32>
        %swap3A_332 = vector.shape_cast %get3A_325 : vector<16xf32> to vector<1x1x16xf32>
        tpu.vector_store %arg8[%swap3A_327, %swap3A_328, %swap3A_329], %swap3A_332 {add = true, strides = array<i32>} : memref<4x200x64xf32, #tpu.memory_space<vmem>>, vector<1x1x16xf32>,
        %get3A_333 = arith.index_cast %scan3A_312 : i32 to index
        %get3A_334 = arith.constant 32 : index
        %get3A_335 = tpu.vector_load %arg7[%get3A_333, %get3A_334] {strides = array<i32>} : memref<200x64xf32, #tpu.memory_space<vmem>>, vector<1x16xf32>,
        %get3A_336 = vector.shape_cast %get3A_335 : vector<1x16xf32> to vector<16xf32>
        %swap3A_337 = arith.constant 3 : i32
        %swap3A_338 = arith.index_cast %swap3A_337 : i32 to index
        %swap3A_339 = arith.index_cast %scan3A_312 : i32 to index
        %swap3A_340 = arith.constant 32 : index
        %swap3A_341 = tpu.vector_load %arg8[%swap3A_338, %swap3A_339, %swap3A_340] {strides = array<i32>} : memref<4x200x64xf32, #tpu.memory_space<vmem>>, vector<1x1x16xf32>,
        %swap3A_342 = vector.shape_cast %swap3A_341 : vector<1x1x16xf32> to vector<16xf32>
        %swap3A_343 = vector.shape_cast %get3A_336 : vector<16xf32> to vector<1x1x16xf32>
        tpu.vector_store %arg8[%swap3A_338, %swap3A_339, %swap3A_340], %swap3A_343 {add = true, strides = array<i32>} : memref<4x200x64xf32, #tpu.memory_space<vmem>>, vector<1x1x16xf32>,
        %get3A_344 = arith.index_cast %scan3A_312 : i32 to index
        %get3A_345 = arith.constant 48 : index
        %get3A_346 = tpu.vector_load %arg7[%get3A_344, %get3A_345] {strides = array<i32>} : memref<200x64xf32, #tpu.memory_space<vmem>>, vector<1x16xf32>,
        %get3A_347 = vector.shape_cast %get3A_346 : vector<1x16xf32> to vector<16xf32>
        %swap3A_348 = arith.constant 3 : i32
        %swap3A_349 = arith.index_cast %swap3A_348 : i32 to index
        %swap3A_350 = arith.index_cast %scan3A_312 : i32 to index
        %swap3A_351 = arith.constant 48 : index
        %swap3A_352 = tpu.vector_load %arg8[%swap3A_349, %swap3A_350, %swap3A_351] {strides = array<i32>} : memref<4x200x64xf32, #tpu.memory_space<vmem>>, vector<1x1x16xf32>,
        %swap3A_353 = vector.shape_cast %swap3A_352 : vector<1x1x16xf32> to vector<16xf32>
        %swap3A_354 = vector.shape_cast %get3A_347 : vector<16xf32> to vector<1x1x16xf32>
        tpu.vector_store %arg8[%swap3A_349, %swap3A_350, %swap3A_351], %swap3A_354 {add = true, strides = array<i32>} : memref<4x200x64xf32, #tpu.memory_space<vmem>>, vector<1x1x16xf32>,
        %scan3A_355 = arith.constant 1 : i32
        %scan3A_356 = arith.addi %scan3A_312, %scan3A_355 : i32
        %get3A_357 = arith.index_cast %scan3A_356 : i32 to index
        %get3A_358 = arith.constant 0 : index
        %get3A_359 = tpu.vector_load %arg7[%get3A_357, %get3A_358] {strides = array<i32>} : memref<200x64xf32, #tpu.memory_space<vmem>>, vector<1x16xf32>,
        %get3A_360 = vector.shape_cast %get3A_359 : vector<1x16xf32> to vector<16xf32>
        %swap3A_361 = arith.constant 3 : i32
        %swap3A_362 = arith.index_cast %swap3A_361 : i32 to index
        %swap3A_363 = arith.index_cast %scan3A_356 : i32 to index
        %swap3A_364 = arith.constant 0 : index
        %swap3A_365 = tpu.vector_load %arg8[%swap3A_362, %swap3A_363, %swap3A_364] {strides = array<i32>} : memref<4x200x64xf32, #tpu.memory_space<vmem>>, vector<1x1x16xf32>,
        %swap3A_366 = vector.shape_cast %swap3A_365 : vector<1x1x16xf32> to vector<16xf32>
        %swap3A_367 = vector.shape_cast %get3A_360 : vector<16xf32> to vector<1x1x16xf32>
        tpu.vector_store %arg8[%swap3A_362, %swap3A_363, %swap3A_364], %swap3A_367 {add = true, strides = array<i32>} : memref<4x200x64xf32, #tpu.memory_space<vmem>>, vector<1x1x16xf32>,
        %get3A_368 = arith.index_cast %scan3A_356 : i32 to index
        %get3A_369 = arith.constant 16 : index
        %get3A_370 = tpu.vector_load %arg7[%get3A_368, %get3A_369] {strides = array<i32>} : memref<200x64xf32, #tpu.memory_space<vmem>>, vector<1x16xf32>,
        %get3A_371 = vector.shape_cast %get3A_370 : vector<1x16xf32> to vector<16xf32>
        %swap3A_372 = arith.constant 3 : i32
        %swap3A_373 = arith.index_cast %swap3A_372 : i32 to index
        %swap3A_374 = arith.index_cast %scan3A_356 : i32 to index
        %swap3A_375 = arith.constant 16 : index
        %swap3A_376 = tpu.vector_load %arg8[%swap3A_373, %swap3A_374, %swap3A_375] {strides = array<i32>} : memref<4x200x64xf32, #tpu.memory_space<vmem>>, vector<1x1x16xf32>,
        %swap3A_377 = vector.shape_cast %swap3A_376 : vector<1x1x16xf32> to vector<16xf32>
        %swap3A_378 = vector.shape_cast %get3A_371 : vector<16xf32> to vector<1x1x16xf32>
        tpu.vector_store %arg8[%swap3A_373, %swap3A_374, %swap3A_375], %swap3A_378 {add = true, strides = array<i32>} : memref<4x200x64xf32, #tpu.memory_space<vmem>>, vector<1x1x16xf32>,
        %get3A_379 = arith.index_cast %scan3A_356 : i32 to index
        %get3A_380 = arith.constant 32 : index
        %get3A_381 = tpu.vector_load %arg7[%get3A_379, %get3A_380] {strides = array<i32>} : memref<200x64xf32, #tpu.memory_space<vmem>>, vector<1x16xf32>,
        %get3A_382 = vector.shape_cast %get3A_381 : vector<1x16xf32> to vector<16xf32>
        %swap3A_383 = arith.constant 3 : i32
        %swap3A_384 = arith.index_cast %swap3A_383 : i32 to index
        %swap3A_385 = arith.index_cast %scan3A_356 : i32 to index
        %swap3A_386 = arith.constant 32 : index
        %swap3A_387 = tpu.vector_load %arg8[%swap3A_384, %swap3A_385, %swap3A_386] {strides = array<i32>} : memref<4x200x64xf32, #tpu.memory_space<vmem>>, vector<1x1x16xf32>,
        %swap3A_388 = vector.shape_cast %swap3A_387 : vector<1x1x16xf32> to vector<16xf32>
        %swap3A_389 = vector.shape_cast %get3A_382 : vector<16xf32> to vector<1x1x16xf32>
        tpu.vector_store %arg8[%swap3A_384, %swap3A_385, %swap3A_386], %swap3A_389 {add = true, strides = array<i32>} : memref<4x200x64xf32, #tpu.memory_space<vmem>>, vector<1x1x16xf32>,
        %get3A_390 = arith.index_cast %scan3A_356 : i32 to index
        %get3A_391 = arith.constant 48 : index
        %get3A_392 = tpu.vector_load %arg7[%get3A_390, %get3A_391] {strides = array<i32>} : memref<200x64xf32, #tpu.memory_space<vmem>>, vector<1x16xf32>,
        %get3A_393 = vector.shape_cast %get3A_392 : vector<1x16xf32> to vector<16xf32>
        %swap3A_394 = arith.constant 3 : i32
        %swap3A_395 = arith.index_cast %swap3A_394 : i32 to index
        %swap3A_396 = arith.index_cast %scan3A_356 : i32 to index
        %swap3A_397 = arith.constant 48 : index
        %swap3A_398 = tpu.vector_load %arg8[%swap3A_395, %swap3A_396, %swap3A_397] {strides = array<i32>} : memref<4x200x64xf32, #tpu.memory_space<vmem>>, vector<1x1x16xf32>,
        %swap3A_399 = vector.shape_cast %swap3A_398 : vector<1x1x16xf32> to vector<16xf32>
        %swap3A_400 = vector.shape_cast %get3A_393 : vector<16xf32> to vector<1x1x16xf32>
        tpu.vector_store %arg8[%swap3A_395, %swap3A_396, %swap3A_397], %swap3A_400 {add = true, strides = array<i32>} : memref<4x200x64xf32, #tpu.memory_space<vmem>>, vector<1x1x16xf32>,
        %scan3A_401 = arith.constant 2 : i32
        %scan3A_402 = arith.addi %scan3A_312, %scan3A_401 : i32
        %get3A_403 = arith.index_cast %scan3A_402 : i32 to index
        %get3A_404 = arith.constant 0 : index
        %get3A_405 = tpu.vector_load %arg7[%get3A_403, %get3A_404] {strides = array<i32>} : memref<200x64xf32, #tpu.memory_space<vmem>>, vector<1x16xf32>,
        %get3A_406 = vector.shape_cast %get3A_405 : vector<1x16xf32> to vector<16xf32>
        %swap3A_407 = arith.constant 3 : i32
        %swap3A_408 = arith.index_cast %swap3A_407 : i32 to index
        %swap3A_409 = arith.index_cast %scan3A_402 : i32 to index
        %swap3A_410 = arith.constant 0 : index
        %swap3A_411 = tpu.vector_load %arg8[%swap3A_408, %swap3A_409, %swap3A_410] {strides = array<i32>} : memref<4x200x64xf32, #tpu.memory_space<vmem>>, vector<1x1x16xf32>,
        %swap3A_412 = vector.shape_cast %swap3A_411 : vector<1x1x16xf32> to vector<16xf32>
        %swap3A_413 = vector.shape_cast %get3A_406 : vector<16xf32> to vector<1x1x16xf32>
        tpu.vector_store %arg8[%swap3A_408, %swap3A_409, %swap3A_410], %swap3A_413 {add = true, strides = array<i32>} : memref<4x200x64xf32, #tpu.memory_space<vmem>>, vector<1x1x16xf32>,
        %get3A_414 = arith.index_cast %scan3A_402 : i32 to index
        %get3A_415 = arith.constant 16 : index
        %get3A_416 = tpu.vector_load %arg7[%get3A_414, %get3A_415] {strides = array<i32>} : memref<200x64xf32, #tpu.memory_space<vmem>>, vector<1x16xf32>,
        %get3A_417 = vector.shape_cast %get3A_416 : vector<1x16xf32> to vector<16xf32>
        %swap3A_418 = arith.constant 3 : i32
        %swap3A_419 = arith.index_cast %swap3A_418 : i32 to index
        %swap3A_420 = arith.index_cast %scan3A_402 : i32 to index
        %swap3A_421 = arith.constant 16 : index
        %swap3A_422 = tpu.vector_load %arg8[%swap3A_419, %swap3A_420, %swap3A_421] {strides = array<i32>} : memref<4x200x64xf32, #tpu.memory_space<vmem>>, vector<1x1x16xf32>,
        %swap3A_423 = vector.shape_cast %swap3A_422 : vector<1x1x16xf32> to vector<16xf32>
        %swap3A_424 = vector.shape_cast %get3A_417 : vector<16xf32> to vector<1x1x16xf32>
        tpu.vector_store %arg8[%swap3A_419, %swap3A_420, %swap3A_421], %swap3A_424 {add = true, strides = array<i32>} : memref<4x200x64xf32, #tpu.memory_space<vmem>>, vector<1x1x16xf32>,
        %get3A_425 = arith.index_cast %scan3A_402 : i32 to index
        %get3A_426 = arith.constant 32 : index
        %get3A_427 = tpu.vector_load %arg7[%get3A_425, %get3A_426] {strides = array<i32>} : memref<200x64xf32, #tpu.memory_space<vmem>>, vector<1x16xf32>,
        %get3A_428 = vector.shape_cast %get3A_427 : vector<1x16xf32> to vector<16xf32>
        %swap3A_429 = arith.constant 3 : i32
        %swap3A_430 = arith.index_cast %swap3A_429 : i32 to index
        %swap3A_431 = arith.index_cast %scan3A_402 : i32 to index
        %swap3A_432 = arith.constant 32 : index
        %swap3A_433 = tpu.vector_load %arg8[%swap3A_430, %swap3A_431, %swap3A_432] {strides = array<i32>} : memref<4x200x64xf32, #tpu.memory_space<vmem>>, vector<1x1x16xf32>,
        %swap3A_434 = vector.shape_cast %swap3A_433 : vector<1x1x16xf32> to vector<16xf32>
        %swap3A_435 = vector.shape_cast %get3A_428 : vector<16xf32> to vector<1x1x16xf32>
        tpu.vector_store %arg8[%swap3A_430, %swap3A_431, %swap3A_432], %swap3A_435 {add = true, strides = array<i32>} : memref<4x200x64xf32, #tpu.memory_space<vmem>>, vector<1x1x16xf32>,
        %get3A_436 = arith.index_cast %scan3A_402 : i32 to index
        %get3A_437 = arith.constant 48 : index
        %get3A_438 = tpu.vector_load %arg7[%get3A_436, %get3A_437] {strides = array<i32>} : memref<200x64xf32, #tpu.memory_space<vmem>>, vector<1x16xf32>,
        %get3A_439 = vector.shape_cast %get3A_438 : vector<1x16xf32> to vector<16xf32>
        %swap3A_440 = arith.constant 3 : i32
        %swap3A_441 = arith.index_cast %swap3A_440 : i32 to index
        %swap3A_442 = arith.index_cast %scan3A_402 : i32 to index
        %swap3A_443 = arith.constant 48 : index
        %swap3A_444 = tpu.vector_load %arg8[%swap3A_441, %swap3A_442, %swap3A_443] {strides = array<i32>} : memref<4x200x64xf32, #tpu.memory_space<vmem>>, vector<1x1x16xf32>,
        %swap3A_445 = vector.shape_cast %swap3A_444 : vector<1x1x16xf32> to vector<16xf32>
        %swap3A_446 = vector.shape_cast %get3A_439 : vector<16xf32> to vector<1x1x16xf32>
        tpu.vector_store %arg8[%swap3A_441, %swap3A_442, %swap3A_443], %swap3A_446 {add = true, strides = array<i32>} : memref<4x200x64xf32, #tpu.memory_space<vmem>>, vector<1x1x16xf32>,
        %scan3A_447 = arith.constant 3 : i32
        %scan3A_448 = arith.addi %scan3A_312, %scan3A_447 : i32
        %get3A_449 = arith.index_cast %scan3A_448 : i32 to index
        %get3A_450 = arith.constant 0 : index
        %get3A_451 = tpu.vector_load %arg7[%get3A_449, %get3A_450] {strides = array<i32>} : memref<200x64xf32, #tpu.memory_space<vmem>>, vector<1x16xf32>,
        %get3A_452 = vector.shape_cast %get3A_451 : vector<1x16xf32> to vector<16xf32>
        %swap3A_453 = arith.constant 3 : i32
        %swap3A_454 = arith.index_cast %swap3A_453 : i32 to index
        %swap3A_455 = arith.index_cast %scan3A_448 : i32 to index
        %swap3A_456 = arith.constant 0 : index
        %swap3A_457 = tpu.vector_load %arg8[%swap3A_454, %swap3A_455, %swap3A_456] {strides = array<i32>} : memref<4x200x64xf32, #tpu.memory_space<vmem>>, vector<1x1x16xf32>,
        %swap3A_458 = vector.shape_cast %swap3A_457 : vector<1x1x16xf32> to vector<16xf32>
        %swap3A_459 = vector.shape_cast %get3A_452 : vector<16xf32> to vector<1x1x16xf32>
        tpu.vector_store %arg8[%swap3A_454, %swap3A_455, %swap3A_456], %swap3A_459 {add = true, strides = array<i32>} : memref<4x200x64xf32, #tpu.memory_space<vmem>>, vector<1x1x16xf32>,
        %get3A_460 = arith.index_cast %scan3A_448 : i32 to index
        %get3A_461 = arith.constant 16 : index
        %get3A_462 = tpu.vector_load %arg7[%get3A_460, %get3A_461] {strides = array<i32>} : memref<200x64xf32, #tpu.memory_space<vmem>>, vector<1x16xf32>,
        %get3A_463 = vector.shape_cast %get3A_462 : vector<1x16xf32> to vector<16xf32>
        %swap3A_464 = arith.constant 3 : i32
        %swap3A_465 = arith.index_cast %swap3A_464 : i32 to index
        %swap3A_466 = arith.index_cast %scan3A_448 : i32 to index
        %swap3A_467 = arith.constant 16 : index
        %swap3A_468 = tpu.vector_load %arg8[%swap3A_465, %swap3A_466, %swap3A_467] {strides = array<i32>} : memref<4x200x64xf32, #tpu.memory_space<vmem>>, vector<1x1x16xf32>,
        %swap3A_469 = vector.shape_cast %swap3A_468 : vector<1x1x16xf32> to vector<16xf32>
        %swap3A_470 = vector.shape_cast %get3A_463 : vector<16xf32> to vector<1x1x16xf32>
        tpu.vector_store %arg8[%swap3A_465, %swap3A_466, %swap3A_467], %swap3A_470 {add = true, strides = array<i32>} : memref<4x200x64xf32, #tpu.memory_space<vmem>>, vector<1x1x16xf32>,
        %get3A_471 = arith.index_cast %scan3A_448 : i32 to index
        %get3A_472 = arith.constant 32 : index
        %get3A_473 = tpu.vector_load %arg7[%get3A_471, %get3A_472] {strides = array<i32>} : memref<200x64xf32, #tpu.memory_space<vmem>>, vector<1x16xf32>,
        %get3A_474 = vector.shape_cast %get3A_473 : vector<1x16xf32> to vector<16xf32>
        %swap3A_475 = arith.constant 3 : i32
        %swap3A_476 = arith.index_cast %swap3A_475 : i32 to index
        %swap3A_477 = arith.index_cast %scan3A_448 : i32 to index
        %swap3A_478 = arith.constant 32 : index
        %swap3A_479 = tpu.vector_load %arg8[%swap3A_476, %swap3A_477, %swap3A_478] {strides = array<i32>} : memref<4x200x64xf32, #tpu.memory_space<vmem>>, vector<1x1x16xf32>,
        %swap3A_480 = vector.shape_cast %swap3A_479 : vector<1x1x16xf32> to vector<16xf32>
        %swap3A_481 = vector.shape_cast %get3A_474 : vector<16xf32> to vector<1x1x16xf32>
        tpu.vector_store %arg8[%swap3A_476, %swap3A_477, %swap3A_478], %swap3A_481 {add = true, strides = array<i32>} : memref<4x200x64xf32, #tpu.memory_space<vmem>>, vector<1x1x16xf32>,
        %get3A_482 = arith.index_cast %scan3A_448 : i32 to index
        %get3A_483 = arith.constant 48 : index
        %get3A_484 = tpu.vector_load %arg7[%get3A_482, %get3A_483] {strides = array<i32>} : memref<200x64xf32, #tpu.memory_space<vmem>>, vector<1x16xf32>,
        %get3A_485 = vector.shape_cast %get3A_484 : vector<1x16xf32> to vector<16xf32>
        %swap3A_486 = arith.constant 3 : i32
        %swap3A_487 = arith.index_cast %swap3A_486 : i32 to index
        %swap3A_488 = arith.index_cast %scan3A_448 : i32 to index
        %swap3A_489 = arith.constant 48 : index
        %swap3A_490 = tpu.vector_load %arg8[%swap3A_487, %swap3A_488, %swap3A_489] {strides = array<i32>} : memref<4x200x64xf32, #tpu.memory_space<vmem>>, vector<1x1x16xf32>,
        %swap3A_491 = vector.shape_cast %swap3A_490 : vector<1x1x16xf32> to vector<16xf32>
        %swap3A_492 = vector.shape_cast %get3A_485 : vector<16xf32> to vector<1x1x16xf32>
        tpu.vector_store %arg8[%swap3A_487, %swap3A_488, %swap3A_489], %swap3A_492 {add = true, strides = array<i32>} : memref<4x200x64xf32, #tpu.memory_space<vmem>>, vector<1x1x16xf32>,
      }
      %scan3A_293 = arith.constant 200 : i32
      %add3A_294 = arith.addi %mul3A_2, %add3A_258 : i32
      %dma_start3A_295 = arith.constant 3 : i32
      %dma_start3A_296 = arith.constant 0 : i32
      %dma_start3A_297 = arith.constant 0 : i32
      %dma_start3A_298 = tpu.memref_slice %arg8[%dma_start3A_295, %dma_start3A_296, %dma_start3A_297] : memref<4x200x64xf32, #tpu.memory_space<vmem>> -> memref<1x200x64xf32, #tpu.memory_space<vmem>>
      %dma_start3A_299 = tpu.memref_squeeze %dma_start3A_298 : memref<1x200x64xf32, #tpu.memory_space<vmem>> -> memref<200x64xf32, #tpu.memory_space<vmem>>
      %dma_start3A_300 = arith.constant 0 : i32
      %dma_start3A_301 = arith.constant 0 : i32
      %dma_start3A_302 = tpu.memref_slice %arg5[%add3A_294, %dma_start3A_300, %dma_start3A_301] : memref<4096x200x128xf32, #tpu.memory_space<hbm>> -> memref<1x200x64xf32, #tpu.memory_space<hbm>>
      %dma_start3A_303 = tpu.memref_squeeze %dma_start3A_302 : memref<1x200x64xf32, #tpu.memory_space<hbm>> -> memref<200x64xf32, #tpu.memory_space<hbm>>
      %dma_start3A_304 = arith.constant 0 : i32
      %dma_start3A_305 = arith.constant 0 : i32
      %dma_start3A_306 = tpu.memref_slice %arg5[%add3A_294, %dma_start3A_304, %dma_start3A_305] : memref<4096x200x128xf32, #tpu.memory_space<hbm>> -> memref<1x200x64xf32, #tpu.memory_space<hbm>>
      %dma_start3A_307 = tpu.memref_squeeze %dma_start3A_306 : memref<1x200x64xf32, #tpu.memory_space<hbm>> -> memref<200x64xf32, #tpu.memory_space<hbm>>
      %dma_start3A_308 = arith.constant 0 : i32
      %dma_start3A_309 = arith.constant 0 : i32
      %dma_start3A_310 = tpu.memref_slice %arg8[%dma_start3A_295, %dma_start3A_308, %dma_start3A_309] : memref<4x200x64xf32, #tpu.memory_space<vmem>> -> memref<1x200x64xf32, #tpu.memory_space<vmem>>
      %dma_start3A_311 = tpu.memref_squeeze %dma_start3A_310 : memref<1x200x64xf32, #tpu.memory_space<vmem>> -> memref<200x64xf32, #tpu.memory_space<vmem>>
      tpu.enqueue_dma source(%dma_start3A_311 : memref<200x64xf32, #tpu.memory_space<vmem>>) target(%dma_start3A_307 : memref<200x64xf32, #tpu.memory_space<hbm>>) target_semaphore(%arg16 : memref<!tpu.dma_semaphore, #tpu.memory_space<semaphore_mem>>)
    }
    %scan3A_54 = arith.constant 32 : i32
    %add3A_55 = arith.constant 126 : i32
    %add3A_56 = arith.addi %mul3A_2, %add3A_55 : i32
    %dma_wait3A = arith.constant 2 : i32
    %dma_wait3A_57 = arith.constant 0 : i32
    %dma_wait3A_58 = arith.constant 0 : i32
    %dma_wait3A_59 = tpu.memref_slice %arg8[%dma_wait3A, %dma_wait3A_57, %dma_wait3A_58] : memref<4x200x64xf32, #tpu.memory_space<vmem>> -> memref<1x200x64xf32, #tpu.memory_space<vmem>>
    %dma_wait3A_60 = tpu.memref_squeeze %dma_wait3A_59 : memref<1x200x64xf32, #tpu.memory_space<vmem>> -> memref<200x64xf32, #tpu.memory_space<vmem>>
    %dma_wait3A_61 = arith.constant 0 : i32
    %dma_wait3A_62 = arith.constant 0 : i32
    %dma_wait3A_63 = tpu.memref_slice %arg5[%add3A_56, %dma_wait3A_61, %dma_wait3A_62] : memref<4096x200x128xf32, #tpu.memory_space<hbm>> -> memref<1x200x64xf32, #tpu.memory_space<hbm>>
    %dma_wait3A_64 = tpu.memref_squeeze %dma_wait3A_63 : memref<1x200x64xf32, #tpu.memory_space<hbm>> -> memref<200x64xf32, #tpu.memory_space<hbm>>
    %dma_wait3A_65 = arith.constant 0 : i32
    %dma_wait3A_66 = arith.constant 0 : i32
    %dma_wait3A_67 = tpu.memref_slice %arg5[%add3A_56, %dma_wait3A_65, %dma_wait3A_66] : memref<4096x200x128xf32, #tpu.memory_space<hbm>> -> memref<1x200x64xf32, #tpu.memory_space<hbm>>
    %dma_wait3A_68 = tpu.memref_squeeze %dma_wait3A_67 : memref<1x200x64xf32, #tpu.memory_space<hbm>> -> memref<200x64xf32, #tpu.memory_space<hbm>>
    %dma_wait3A_69 = arith.constant 0 : i32
    %dma_wait3A_70 = arith.constant 0 : i32
    %dma_wait3A_71 = tpu.memref_slice %arg8[%dma_wait3A, %dma_wait3A_69, %dma_wait3A_70] : memref<4x200x64xf32, #tpu.memory_space<vmem>> -> memref<1x200x64xf32, #tpu.memory_space<vmem>>
    %dma_wait3A_72 = tpu.memref_squeeze %dma_wait3A_71 : memref<1x200x64xf32, #tpu.memory_space<vmem>> -> memref<200x64xf32, #tpu.memory_space<vmem>>
    tpu.wait_dma2 semaphore(%arg15 : memref<!tpu.dma_semaphore, #tpu.memory_space<semaphore_mem>>) src(%dma_wait3A_72 : memref<200x64xf32, #tpu.memory_space<vmem>>) dst(%dma_wait3A_68 : memref<200x64xf32, #tpu.memory_space<hbm>>)
    %add3A_73 = arith.constant 127 : i32
    %add3A_74 = arith.addi %mul3A_2, %add3A_73 : i32
    %dma_wait3A_75 = arith.constant 3 : i32
    %dma_wait3A_76 = arith.constant 0 : i32
    %dma_wait3A_77 = arith.constant 0 : i32
    %dma_wait3A_78 = tpu.memref_slice %arg8[%dma_wait3A_75, %dma_wait3A_76, %dma_wait3A_77] : memref<4x200x64xf32, #tpu.memory_space<vmem>> -> memref<1x200x64xf32, #tpu.memory_space<vmem>>
    %dma_wait3A_79 = tpu.memref_squeeze %dma_wait3A_78 : memref<1x200x64xf32, #tpu.memory_space<vmem>> -> memref<200x64xf32, #tpu.memory_space<vmem>>
    %dma_wait3A_80 = arith.constant 0 : i32
    %dma_wait3A_81 = arith.constant 0 : i32
    %dma_wait3A_82 = tpu.memref_slice %arg5[%add3A_74, %dma_wait3A_80, %dma_wait3A_81] : memref<4096x200x128xf32, #tpu.memory_space<hbm>> -> memref<1x200x64xf32, #tpu.memory_space<hbm>>
    %dma_wait3A_83 = tpu.memref_squeeze %dma_wait3A_82 : memref<1x200x64xf32, #tpu.memory_space<hbm>> -> memref<200x64xf32, #tpu.memory_space<hbm>>
    %dma_wait3A_84 = arith.constant 0 : i32
    %dma_wait3A_85 = arith.constant 0 : i32
    %dma_wait3A_86 = tpu.memref_slice %arg5[%add3A_74, %dma_wait3A_84, %dma_wait3A_85] : memref<4096x200x128xf32, #tpu.memory_space<hbm>> -> memref<1x200x64xf32, #tpu.memory_space<hbm>>
    %dma_wait3A_87 = tpu.memref_squeeze %dma_wait3A_86 : memref<1x200x64xf32, #tpu.memory_space<hbm>> -> memref<200x64xf32, #tpu.memory_space<hbm>>
    %dma_wait3A_88 = arith.constant 0 : i32
    %dma_wait3A_89 = arith.constant 0 : i32
    %dma_wait3A_90 = tpu.memref_slice %arg8[%dma_wait3A_75, %dma_wait3A_88, %dma_wait3A_89] : memref<4x200x64xf32, #tpu.memory_space<vmem>> -> memref<1x200x64xf32, #tpu.memory_space<vmem>>
    %dma_wait3A_91 = tpu.memref_squeeze %dma_wait3A_90 : memref<1x200x64xf32, #tpu.memory_space<vmem>> -> memref<200x64xf32, #tpu.memory_space<vmem>>
    tpu.wait_dma2 semaphore(%arg16 : memref<!tpu.dma_semaphore, #tpu.memory_space<semaphore_mem>>) src(%dma_wait3A_91 : memref<200x64xf32, #tpu.memory_space<vmem>>) dst(%dma_wait3A_87 : memref<200x64xf32, #tpu.memory_space<hbm>>)
    return
  }
}

</mosaic_0001>

<sc_bundles>
// kernel: kernel.3.cloned.1.call-start
scs
__scs_entry_jumppad:
0x0: {  	(pc) =	sbr.rel $0x88, $3  }
0x1: {  	(tag) =	ssettag $0x0;
	lr =	simm.s32 $0x1  }
0x2: {  	[smem:$0x3F9E] =	sst lr;
	_ =	strace $0xD0000000  }
0x3: {  	_ = 	snop  }
0x4: {  	_ = 	snop  }
0x5: {  	_ = 	snop  }
0x6: {  	_ = 	snop  }
0x7: {  	_ = 	snop  }
__scs_overlays_trampoline_lowered:
0x8: {  	[smem:$0x3FAD] =	sst s0  }
0x9: {  	[smem:$0x3FAE] =	sst s1  }
0xa: {  	[smem:$0x3FAF] =	sst s2  }
0xb: {  	[smem:$0x3FB0] =	sst s3  }
0xc: {  	[smem:$0x3FB1] =	sst s4  }
0xd: {  	[smem:$0x3FB2] =	sst s5  }
0xe: {  	[smem:$0x3FB3] =	sst s6  }
0xf: {  	[smem:$0x3FB4] =	sst s7  }
0x10: {  	[smem:$0x3FB5] =	sst s8  }
0x11: {  	[smem:$0x3FB6] =	sst s9;
	s0 =	simm.s32 @!p0 $0x0  }
0x12: {  	s1 =	sld [smem:$0x3F9C];
	s0 =	simm.s32 @p0 $0x1  }
0x13: {  	[smem:$0x3FB7] =	sst s0;
	s0 =	simm.s32 @!p1 $0x0  }
0x14: {  	s2 =	sld [smem:$0x3F9B];
	s0 =	simm.s32 @p1 $0x1  }
0x15: {  	[smem:$0x3FB8] =	sst s0;
	s0 =	simm.s32 @!p2 $0x0  }
0x16: {  	s3 =	sld [smem:$0x3FDB];
	s0 =	simm.s32 @p2 $0x1  }
0x17: {  	s4 =	simm.s32 $0x1BF5;
	[smem:$0x3FBA] =	sst s0  }
0x18: {  	s0 =	sld [smem:$0x3F9D];
	_ =	swait.ge [sflag:s4], $0x0  }
0x19: {  	s7 =	sld [smem:$0x3F9E]  }
0x1a: {  	s8 =	sadd.s32 $0xFFFFE003, lr  }
0x1b: {  	s9 =	sadd.s32 $0xFFFFFEF7, lr;
	s5 =	simm.s32 $0xFFFFFFFF;
	p2 =	slt.u32 s8, $0xFFFFF086  }
0x1c: {  	p1 =	slt.u32 s9, $0xF7A;
	s5 =	simm.s32 @!p2 $0x0  }
0x1d: {  	s5 =	simm.s32 @p1 $0x1;
	p0 =	seq.s32 s7, s2  }
0x1e: {  	s7 =	smul.u32 @!p0 $0xF7A, s2;
	p2 =	seq.s32 @!p0 s5, $0x0  }
0x1f: {  	s9 =	smul.u32 $0xF7A, s1;
	s8 =	simm.s32 @!p0 $0x1BF5;
	p2 =	por !p2, p0  }
0x20: {  	[sflag:s8] =	ssyncset.s32 @!p0 $0xFFFFF086;
	s6 =	sadd.s32 @!p0 s3, s7;
	s7 =	simm.s32 @!p0 $0x108  }
0x21: {  	s3 =	sadd.s32 s3, s9;
	s6 =	sadd.s32 @!p0 $0x88, s6;
	s7 =	simm.s32 @p2 $0x1082  }
0x22: {  	[simem:s7], [sflag:s8] =	dma.local @!p0 [hbm:s6], $0xF7A  }
0x23: {  	s9 =	sor.u32 $0xD0000000, s2;
	s6 =	simm.s32 $0x108;
	_ =	swait.ge @!p0 [sflag:s8], $0x0  }
0x24: {  	s3 =	sadd.s32 $0x88, s3;
	s6 =	simm.s32 @!p1 $0x1082;
	[sflag:s4] =	ssyncset.s32 $0xFFFFF086  }
0x25: {  	[simem:s6], [sflag:s4] =	dma.local [hbm:s3], $0xF7A  }
0x26: {  	[smem:$0x3F9E] =	sst s1;
	(tag) =	ssettag s2;
	_ =	strace s9  }
0x27: {  	s1 =	sld [smem:$0x3FAE]  }
0x28: {  	s2 =	sld [smem:$0x3FAF]  }
0x29: {  	s4 =	sld [smem:$0x3FB1]  }
0x2a: {  	p0 =	seq.s32 s5, $0x0;
	s5 =	sld [smem:$0x3FB2]  }
0x2b: {  	s6 =	sld [smem:$0x3FB3]  }
0x2c: {  	s7 =	sld [smem:$0x3FB4]  }
0x2d: {  	s3 =	simm.s32 $0x108;
	s8 =	sld [smem:$0x3FB5]  }
0x2e: {  	s3 =	simm.s32 @!p0 $0x1082;
	s9 =	sld [smem:$0x3FB6]  }
0x2f: {  	lr =	sadd.s32 s0, s3;
	s0 =	sld [smem:$0x3FAD]  }
0x30: {  	s3 =	sld [smem:$0x3FB0]  }
0x31: {  	[smem:$0x3FB9] =	sst s10  }
0x32: {  	s10 =	sld [smem:$0x3FB7];
	_ =	sdelay $0x3  }
0x33: {  	p0 =	seq.s32 s10, $0x1;
	s10 =	sld [smem:$0x3FB9];
	_ =	sdelay $0x3  }
0x34: {  	[smem:$0x3FB9] =	sst s10  }
0x35: {  	s10 =	sld [smem:$0x3FB8];
	_ =	sdelay $0x3  }
0x36: {  	p1 =	seq.s32 s10, $0x1;
	s10 =	sld [smem:$0x3FB9];
	_ =	sdelay $0x3  }
0x37: {  	[smem:$0x3FB9] =	sst s10  }
0x38: {  	s10 =	sld [smem:$0x3FBA]  }
0x39: {  	_ = 	snop;
	(pc) =	sbr.ind lr, $3  }
0x3a: {  	_ = 	snop  }
0x3b: {  	_ = 	snop  }
0x3c: {  	p2 =	seq.s32 s10, $0x1;
	s10 =	sld [smem:$0x3FB9]  }
0x3d: {  	_ =	shalt  }
0x3e: {  	_ =	shalt  }
0x3f: {  	_ =	shalt  }
0x40: {  	_ =	shalt  }
0x41: {  	_ =	shalt  }
0x42: {  	_ =	shalt  }
0x43: {  	_ =	shalt  }
0x44: {  	_ =	shalt  }
0x45: {  	_ =	shalt  }
0x46: {  	_ =	shalt  }
0x47: {  	_ =	shalt  }
0x48: {  	_ =	shalt  }
0x49: {  	_ =	shalt  }
0x4a: {  	_ =	shalt  }
0x4b: {  	_ =	shalt  }
0x4c: {  	_ =	shalt  }
0x4d: {  	_ =	shalt  }
0x4e: {  	_ =	shalt  }
0x4f: {  	_ =	shalt  }
0x50: {  	_ =	shalt  }
0x51: {  	_ =	shalt  }
0x52: {  	_ =	shalt  }
0x53: {  	_ =	shalt  }
0x54: {  	_ =	shalt  }
0x55: {  	_ =	shalt  }
0x56: {  	_ =	shalt  }
0x57: {  	_ =	shalt  }
0x58: {  	_ =	shalt  }
0x59: {  	_ =	shalt  }
0x5a: {  	_ =	shalt  }
0x5b: {  	_ =	shalt  }
0x5c: {  	_ =	shalt  }
0x5d: {  	_ =	shalt  }
0x5e: {  	_ =	shalt  }
0x5f: {  	_ =	shalt  }
0x60: {  	_ =	shalt  }
0x61: {  	_ =	shalt  }
0x62: {  	_ =	shalt  }
0x63: {  	_ =	shalt  }
0x64: {  	_ =	shalt  }
0x65: {  	_ =	shalt  }
0x66: {  	_ =	shalt  }
0x67: {  	_ =	shalt  }
0x68: {  	_ =	shalt  }
0x69: {  	_ =	shalt  }
0x6a: {  	_ =	shalt  }
0x6b: {  	_ =	shalt  }
0x6c: {  	_ =	shalt  }
0x6d: {  	_ =	shalt  }
0x6e: {  	_ =	shalt  }
0x6f: {  	_ =	shalt  }
0x70: {  	_ =	shalt  }
0x71: {  	_ =	shalt  }
0x72: {  	_ =	shalt  }
0x73: {  	_ =	shalt  }
0x74: {  	_ =	shalt  }
0x75: {  	_ =	shalt  }
0x76: {  	_ =	shalt  }
0x77: {  	_ =	shalt  }
0x78: {  	_ =	shalt  }
0x79: {  	_ =	shalt  }
0x7a: {  	_ =	shalt  }
0x7b: {  	_ =	shalt  }
0x7c: {  	_ =	shalt  }
0x7d: {  	_ =	shalt  }
0x7e: {  	_ =	shalt  }
0x7f: {  	_ =	shalt  }
0x80: {  	_ =	shalt  }
0x81: {  	_ =	shalt  }
0x82: {  	_ =	shalt  }
0x83: {  	_ =	shalt  }
0x84: {  	_ =	shalt  }
0x85: {  	_ =	shalt  }
0x86: {  	_ =	shalt  }
0x87: {  	_ =	shalt  }
.Lfunc_end0:
.L_simem_size_0:
called_computation.2_lowered:
.L_overlay_start_0:
0x88: {  	s2 =	sld [smem:$0x3FD9]  }
0x89: {  	s3 =	sld [smem:$0x3FFE];
	_ =	sdelay $0x1  }
0x8a: {  	s1 =	srdreg.scid  }
0x8b: {  	s0 =	sand.u32 $0x1, s1  }
0x8c: {  	s17 =	sshll.u32 s0, $0xA;
	s2 =	sadd.s32 s3, s2  }
0x8d: {  	s2 =	sadd.s32 s2, s17  }
0x8e: {  	[smem:$0x3FC5] =	sst s2  }
0x8f: {  	_ = 	snop  }
0x90: {  	s2 =	sld [smem:$0x3FD0];
	(tm) =	ssettm $0x1  }
0x91: {  	s18 =	sld [smem:$0x3FFB];
	_ =	sdelay $0x3  }
0x92: {  	_ =	strace s18  }
0x93: {  	s3 =	sld [smem:$0x3FFC];
	_ =	sdelay $0x3  }
0x94: {  	_ =	strace s3  }
0x95: {  	s3 =	sld [smem:$0x3FFD];
	_ =	sdelay $0x3  }
0x96: {  	_ =	strace s3  }
0x97: {  	_ =	strace $0x8FFFFFFF  }
0x98: {  	s19 =	sld [smem:$0x3FDB];
	_ =	sdelay $0x1  }
0x99: {  	s4 =	simm.s32 $_scs_section_size  }
0x9a: {  	s5 =	simm.s32 $_size__tile_overlayer_lowered;
	s6 =	simm.s32 $_tile_overlayer_lowered  }
0x9b: {  	s22 =	simm.s32 $0x1BFF;
	s21 =	sshll.u32 s6, $0x1;
	s3 =	sadd.s32 s4, s19  }
0x9c: {  	s7 =	simm.s32 $0x0;
	s20 =	sshll.u32 s5, $0x1;
	s5 =	sadd.s32 s21, s3  }
0x9d: {  	[timem:s7], [sflag:s22] =	dma.local [hbm:s5], s20  }
0x9e: {  	_ =	swait.ge [sflag:s22], s20  }
0x9f: {  	s4 =	ssub.s32 $0x0, s20;
	[sflag:s22] =	ssyncset.done $0x0  }
0xa0: {  	[sflag:s22] =	ssyncadd.s32 s4;
	_ =	sdelay $0x1  }
0xa1: {  	s23 =	simm.s32 $0x1B8B  }
0xa2: {  	_ =	swait.ge [sflag:s23], $0x1  }
0xa3: {  	[sflag:s23] =	ssyncset.done $0x0  }
0xa4: {  	s25 =	simm.s32 $0x1B8E;
	s24 =	sld [smem:$0x3FFE];
	[sflag:s23] =	ssyncadd.s32 $0xFFFFFFFF  }
0xa5: {  	s26 =	simm.s32 $execute0_lowered;
	[smem:$0x3FD2] =	sst s25  }
0xa6: {  	s5 =	sshll.u32 s26, $0x1;
	_ =	strace $0x80000049;
	[dreg:$0x1] =	wrdreg $0xFFFFFFFF  }
0xa7: {  	s28 =	simm.s32 $_size_execute0_lowered;
	s3 =	sadd.s32 s3, s5;
	[dreg:$0x0] =	wrdreg $0x0  }
0xa8: {  	s5 =	sshll.u32 s28, $0x1;
	[dreg:$0x2] =	wrdreg s3  }
0xa9: {  	[dreg:$0x3] =	wrdreg s5  }
0xaa: {  	[dreg:$0x4] =	wrdreg $0xC0  }
0xab: {  	_ =	task [dreg:s7], $0x5FFFF  }
0xac: {  	[dreg:$0x1] =	wrdreg $0xFFFFFFFF  }
0xad: {  	[dreg:$0x0] =	wrdreg $0x60  }
0xae: {  	[dreg:$0x2] =	wrdreg s2  }
0xaf: {  	[dreg:$0x3] =	wrdreg s24  }
0xb0: {  	[dreg:$0x4] =	wrdreg $0x9  }
0xb1: {  	_ =	task.clear_ibuf [dreg:s7], $0x5FFFF;
	_ =	strace $0x90000049  }
0xb2: {  	s29 =	simm.s32 $0x9;
	_ =	strace $0x8000004B  }
0xb3: {  	_ =	swait.ge [sflag:s29], $0x1  }
0xb4: {  	[sflag:s29] =	ssyncadd.s32 $0xFFFFFFFF  }
0xb5: {  	_ =	strace $0x9000004B  }
0xb6: {  	_ =	sfence  }
0xb7: {  	s30 =	sld [smem:$0x0];
	_ =	sdelay $0x2  }
0xb8: {  	s31 =	sshll.u32 s1, $0xD;
	s1 =	sshrl.u32 s1, $0x2  }
0xb9: {  	s3 =	sand.u32 $0x4000, s31;
	s1 =	sadd.s32 s1, s30  }
0xba: {  	s0 =	sor.u32 s3, s0;
	s1 =	sshll.u32 s1, $0x11  }
0xbb: {  	s0 =	sor.u32 s1, s0  }
0xbc: {  	s0 =	sadd.s32 $0x8F2B, s0  }
0xbd: {  	[sflag:s0] =	ssyncadd.remote.s32 $0x1  }
0xbe: {  	_ =	sfence.sel $0xFFFF  }
0xbf: {  	[dreg:$0x0] =	wrdreg $0xFFFFFFFF;
	(pc) =	sbr.abs _section_cstart, $3  }
0xc0: {  	[dreg:$0x1] =	wrdreg $0xFFFFFFFF  }
0xc1: {  	_ =	task.clear_ibuf [dreg:s7], $0x2FFFF;
	_ =	strace $0x9FFFFFFF  }
0xc2: {  	(tm) =	ssettm $0x7FFFFFFF  }
0xc3: {  	_ =	shalt  }
tec
execute0_lowered:
.L_overlay_start_1:
0x0: {  	(tag) =	ssettag $0x1  }
0x1: {  	s0 =	rddreg [dreg:$0x0]  }
0x2: {  	s1 =	rddreg [dreg:$0x1];
	s3 =	srdreg.scid;
	s2 =	simm.s32 $0x0  }
0x3: {  	s4 =	stileid.u32;
	s11 =	simm.s32 $0x80;
	s12 =	simm.s32 $0x9600  }
0x4: {  	s13 =	simm.s32 $0x48;
	s16 =	simm.s32 $0xC800;
	s19 =	simm.s32 $0xFA00  }
0x5: {  	s20 =	simm.s32 $0x11A00;
	s21 =	simm.s32 $0x1;
	s22 =	simm.s32 $0x40  }
0x6: {  	s23 =	simm.s32 $0x12C00;
	s24 =	simm.s32 $0x14C00;
	s25 =	simm.s32 $0x2  }
0x7: {  	s28 =	simm.s32 $0x4;
	s29 =	simm.s32 $0x7;
	s30 =	simm.s32 $0x8  }
0x8: {  	s31 =	simm.s32 $0x0;
	s3 =	sand.u32 $0x1, s3;
	[smem:$0x7FF] =	sst s2  }
0x9: {  	s4 =	sshll.u32 s4, $0x8;
	s5 =	sshll.u32 s3, $0x7;
	s7 =	ssub.s32 $0x2, s3  }
0xa: {  	s6 =	sadd.s32 $0x1000, s1;
	s3 =	sor.u32 s5, s4;
	s8 =	sshrl.u32 s7, $0x1  }
0xb: {  	_ =	strace $0x8000004A;
	s9 =	smul.u32 $0x19, s3;
	s26 =	ssub.s32 s7, s8  }
0xc: {  	s4 =	sadd.s32 $0xF43C00, s1;
	s5 =	sadd.s32 $0xF43400, s1;
	s8 =	smax.u32 s26, $0x1  }
0xd: {  	s26 =	simm.s32 $0x3;
	s7 =	sadd.s32 s0, s9;
	s9 =	simm.s32 $0x9  }
.LBB2_1:
0xe: {  	[tilespmem:s2], [sflag:$0x9] =	stream.linear.gather [hbm4b:s7+s2], $0x6400, $0x38;
	[tilespmem:$0x15E00] =	vst v63  }
0xf: {  	_ =	swait.ge [sflag:s9], $0x6400  }
0x10: {  	[sflag:s9] =	ssyncset.done $0x0  }
0x11: {  	s0 =	simm.s32 $0x6400;
	[sflag:s9] =	ssyncadd.s32 $0xFFFF9C00  }
0x12: {  	[tilespmem:s0], [sflag:$0x9] =	stream.linear.gather [hbm4b:s5+s2], $0x3200, $0x38;
	[tilespmem:$0x15E00] =	vst v63  }
0x13: {  	_ =	swait.ge [sflag:s9], $0x3200  }
0x14: {  	[sflag:s9] =	ssyncset.done $0x0  }
0x15: {  	[sflag:s9] =	ssyncadd.s32 $0xFFFFCE00  }
0x16: {  	[tilespmem:s12], [sflag:$0x1] =	stream.indirect.gather [hbm4b:s4+s11], $0x40, s2, s11, $0xb8;
	[tilespmem:$0x15E00] =	vst v63  }
0x17: {  	s15 =	simm.s32 $0xB600  }
0x18: {  	[tilespmem:s15], [sflag:$0x1] =	stream.indirect.gather [hbm4b:s4+s13], $0x40, s11, s13, $0xb8;
	[tilespmem:$0x15E00] =	vst v63  }
0x19: {  	s17 =	simm.s32 $0xC8  }
0x1a: {  	[tilespmem:s16], [sflag:$0x2] =	stream.indirect.gather [hbm4b:s4+s11], $0x40, s17, s11, $0xb8;
	[tilespmem:$0x15E00] =	vst v63  }
0x1b: {  	s18 =	simm.s32 $0x148;
	s1 =	simm.s32 $0xE800;
	s0 =	simm.s32 $0x0  }
0x1c: {  	[tilespmem:s1], [sflag:$0x2] =	stream.indirect.gather [hbm4b:s4+s13], $0x40, s18, s13, $0xb8;
	[tilespmem:$0x15E00] =	vst v63  }
.LBB2_2:
0x1d: {  	s14 =	sshll.u32 s0, $0x2;
	p0 =	seq.s32 s0, $0x0  }
0x1e: {  	s10 =	sor.u32 $0x2, s14;
	s1 =	simm.s32 @!p0 $0x7  }
0x1f: {  	_ =	swait.ge @!p0 [sflag:s1], $0x3200;
	s15 =	smul.u32 $0x320, s10  }
0x20: {  	[sflag:s1] =	ssyncset.done @!p0 $0x0  }
0x21: {  	[sflag:s1] =	ssyncadd.s32 @!p0 $0xFFFFCE00;
	s18 =	sshra.s32 s15, $0x2  }
0x22: {  	[tilespmem:s19], [sflag:$0x3] =	stream.indirect.gather [hbm4b:s4+s11], $0x40, s18, s11, $0xb8;
	[tilespmem:$0x15E00] =	vst v63  }
0x23: {  	s1 =	sadd.s32 $0x80, s18  }
0x24: {  	[tilespmem:s20], [sflag:$0x3] =	stream.indirect.gather [hbm4b:s4+s13], $0x40, s1, s13, $0xb8;
	[tilespmem:$0x15E00] =	vst v63  }
0x25: {  	_ =	swait.ge [sflag:s21], $0x2000  }
0x26: {  	[sflag:s21] =	ssyncset.done $0x0  }
0x27: {  	[sflag:s21] =	ssyncadd.s32 $0xFFFFE000  }
0x28: {  	_ =	swait.ge [sflag:s21], $0x1200  }
0x29: {  	[sflag:s21] =	ssyncset.done $0x0  }
0x2a: {  	s1 =	simm.s32 $0x0;
	[sflag:s21] =	ssyncadd.s32 $0xFFFFEE00  }
0x2b: {  	v0 =	vld [tilespmem:s1+$0x64F0]  }
0x2c: {  	v1 =	vld [tilespmem:s1+$0x6400]  }
0x2d: {  	v2 =	vld [tilespmem:s1+$0x6410]  }
0x2e: {  	v3 =	vld [tilespmem:s1+$0x6420]  }
0x2f: {  	v4 =	vld [tilespmem:s1+$0x6430]  }
0x30: {  	v5 =	vld [tilespmem:s1+$0x6440]  }
0x31: {  	v6 =	vld [tilespmem:s1+$0x6450]  }
0x32: {  	v7 =	vld [tilespmem:s1+$0x6460]  }
0x33: {  	v8 =	vld [tilespmem:s1+$0x6470]  }
0x34: {  	v9 =	vld [tilespmem:s1+$0x6480]  }
0x35: {  	v10 =	vld [tilespmem:s1+$0x6490]  }
0x36: {  	v11 =	vld [tilespmem:s1+$0x64A0]  }
0x37: {  	v12 =	vld [tilespmem:s1+$0x64B0]  }
0x38: {  	v13 =	vld [tilespmem:s1+$0x64C0]  }
0x39: {  	v14 =	vld [tilespmem:s1+$0x64D0]  }
0x3a: {  	[tilespmem:s1+$0x96F0] =	vst.add.f32.msk $0xffff, v0  }
0x3b: {  	v0 =	vld [tilespmem:s1+$0x64E0]  }
0x3c: {  	[tilespmem:s1+$0x9600] =	vst.add.f32.msk $0xffff, v1  }
0x3d: {  	[tilespmem:s1+$0x9610] =	vst.add.f32.msk $0xffff, v2  }
0x3e: {  	[tilespmem:s1+$0x9620] =	vst.add.f32.msk $0xffff, v3  }
0x3f: {  	[tilespmem:s1+$0x9630] =	vst.add.f32.msk $0xffff, v4  }
0x40: {  	[tilespmem:s1+$0x9640] =	vst.add.f32.msk $0xffff, v5  }
0x41: {  	[tilespmem:s1+$0x9650] =	vst.add.f32.msk $0xffff, v6  }
0x42: {  	[tilespmem:s1+$0x9660] =	vst.add.f32.msk $0xffff, v7  }
0x43: {  	[tilespmem:s1+$0x9670] =	vst.add.f32.msk $0xffff, v8  }
0x44: {  	[tilespmem:s1+$0x9680] =	vst.add.f32.msk $0xffff, v9  }
0x45: {  	[tilespmem:s1+$0x9690] =	vst.add.f32.msk $0xffff, v10  }
0x46: {  	[tilespmem:s1+$0x96A0] =	vst.add.f32.msk $0xffff, v11  }
0x47: {  	[tilespmem:s1+$0x96B0] =	vst.add.f32.msk $0xffff, v12  }
0x48: {  	[tilespmem:s1+$0x96C0] =	vst.add.f32.msk $0xffff, v13  }
0x49: {  	s17 =	simm.s32 $0x400;
	s15 =	simm.s32 $0x0;
	[tilespmem:s1+$0x96D0] =	vst.add.f32.msk $0xffff, v14  }
.LBB2_3:
0x4a: {  	s15 =	sadd.s32 $0x4, s15;
	[tilespmem:s1+$0x96E0] =	vst.add.f32.msk $0xffff, v0;
	s1 =	sshra.s32 s17, $0x2  }
0x4b: {  	v0 =	vld [tilespmem:s1+$0x64F0];
	p1 =	slt.u32 s15, $0xC4  }
0x4c: {  	v1 =	vld [tilespmem:s1+$0x6400]  }
0x4d: {  	v2 =	vld [tilespmem:s1+$0x6410]  }
0x4e: {  	v3 =	vld [tilespmem:s1+$0x6420]  }
0x4f: {  	v4 =	vld [tilespmem:s1+$0x6430]  }
0x50: {  	[tilespmem:s1+$0x96F0] =	vst.add.f32.msk $0xffff, v0  }
0x51: {  	v5 =	vld [tilespmem:s1+$0x6440]  }
0x52: {  	v6 =	vld [tilespmem:s1+$0x6450]  }
0x53: {  	v7 =	vld [tilespmem:s1+$0x6460]  }
0x54: {  	v8 =	vld [tilespmem:s1+$0x6470]  }
0x55: {  	v9 =	vld [tilespmem:s1+$0x6480]  }
0x56: {  	v10 =	vld [tilespmem:s1+$0x6490]  }
0x57: {  	v11 =	vld [tilespmem:s1+$0x64A0]  }
0x58: {  	v12 =	vld [tilespmem:s1+$0x64B0]  }
0x59: {  	v13 =	vld [tilespmem:s1+$0x64C0]  }
0x5a: {  	v14 =	vld [tilespmem:s1+$0x64D0]  }
0x5b: {  	v0 =	vld [tilespmem:s1+$0x64E0]  }
0x5c: {  	[tilespmem:s1+$0x9600] =	vst.add.f32.msk $0xffff, v1  }
0x5d: {  	[tilespmem:s1+$0x9610] =	vst.add.f32.msk $0xffff, v2  }
0x5e: {  	[tilespmem:s1+$0x9620] =	vst.add.f32.msk $0xffff, v3  }
0x5f: {  	[tilespmem:s1+$0x9630] =	vst.add.f32.msk $0xffff, v4  }
0x60: {  	[tilespmem:s1+$0x9640] =	vst.add.f32.msk $0xffff, v5  }
0x61: {  	[tilespmem:s1+$0x9650] =	vst.add.f32.msk $0xffff, v6  }
0x62: {  	[tilespmem:s1+$0x9660] =	vst.add.f32.msk $0xffff, v7  }
0x63: {  	[tilespmem:s1+$0x9670] =	vst.add.f32.msk $0xffff, v8  }
0x64: {  	[tilespmem:s1+$0x9680] =	vst.add.f32.msk $0xffff, v9  }
.Ltmp0:
0x65: {  	[tilespmem:s1+$0x9690] =	vst.add.f32.msk $0xffff, v10;
	(pc) =	sbr.rel @p1 .LBB2_3-.Ltmp0, $4  }
0x66: {  	[tilespmem:s1+$0x96A0] =	vst.add.f32.msk $0xffff, v11  }
0x67: {  	[tilespmem:s1+$0x96B0] =	vst.add.f32.msk $0xffff, v12  }
0x68: {  	[tilespmem:s1+$0x96C0] =	vst.add.f32.msk $0xffff, v13  }
0x69: {  	s17 =	sadd.s32 $0x400, s17;
	[tilespmem:s1+$0x96D0] =	vst.add.f32.msk $0xffff, v14  }
0x6a: {  	s15 =	sadd.s32 s3, s14  }
0x6b: {  	s15 =	smul.u32 $0xC80, s15;
	_ =	sdelay $0x1  }
0x6c: {  	[tilespmem:s1+$0x96E0] =	vst.add.f32.msk $0xffff, v0;
	s1 =	sor.u32 $0x3, s14;
	s17 =	sadd.s32 s6, s15;
	s15 =	simm.s32 @!p0 $0x8  }
0x6d: {  	[hbm4b:s17+s22] =	stream.strided.scatter [tilespmem:s12], [sflag:$0x5], $0x3200, s11, s22, $0x38;
	[tilespmem:$0x15E00] =	vst v63  }
0x6e: {  	s17 =	smul.u32 $0x320, s1;
	_ =	swait.ge @!p0 [sflag:s15], $0x3200  }
0x6f: {  	[sflag:s15] =	ssyncset.done @!p0 $0x0  }
0x70: {  	s18 =	sshra.s32 s17, $0x2;
	[sflag:s15] =	ssyncadd.s32 @!p0 $0xFFFFCE00  }
0x71: {  	[tilespmem:s23], [sflag:$0x4] =	stream.indirect.gather [hbm4b:s4+s11], $0x40, s18, s11, $0xb8;
	[tilespmem:$0x15E00] =	vst v63  }
0x72: {  	s15 =	sadd.s32 $0x80, s18  }
0x73: {  	[tilespmem:s24], [sflag:$0x4] =	stream.indirect.gather [hbm4b:s4+s13], $0x40, s15, s13, $0xb8;
	[tilespmem:$0x15E00] =	vst v63  }
0x74: {  	_ =	swait.ge [sflag:s25], $0x2000  }
0x75: {  	[sflag:s25] =	ssyncset.done $0x0  }
0x76: {  	[sflag:s25] =	ssyncadd.s32 $0xFFFFE000  }
0x77: {  	_ =	swait.ge [sflag:s25], $0x1200  }
0x78: {  	[sflag:s25] =	ssyncset.done $0x0  }
0x79: {  	s15 =	simm.s32 $0x0;
	[sflag:s25] =	ssyncadd.s32 $0xFFFFEE00  }
0x7a: {  	v0 =	vld [tilespmem:s15+$0x64F0]  }
0x7b: {  	v1 =	vld [tilespmem:s15+$0x6400]  }
0x7c: {  	v2 =	vld [tilespmem:s15+$0x6410]  }
0x7d: {  	v3 =	vld [tilespmem:s15+$0x6420]  }
0x7e: {  	v4 =	vld [tilespmem:s15+$0x6430]  }
0x7f: {  	v5 =	vld [tilespmem:s15+$0x6440]  }
0x80: {  	v6 =	vld [tilespmem:s15+$0x6450]  }
0x81: {  	v7 =	vld [tilespmem:s15+$0x6460]  }
0x82: {  	v8 =	vld [tilespmem:s15+$0x6470]  }
0x83: {  	v9 =	vld [tilespmem:s15+$0x6480]  }
0x84: {  	v10 =	vld [tilespmem:s15+$0x6490]  }
0x85: {  	v11 =	vld [tilespmem:s15+$0x64A0]  }
0x86: {  	v12 =	vld [tilespmem:s15+$0x64B0]  }
0x87: {  	v13 =	vld [tilespmem:s15+$0x64C0]  }
0x88: {  	v14 =	vld [tilespmem:s15+$0x64D0]  }
0x89: {  	[tilespmem:s15+$0xC8F0] =	vst.add.f32.msk $0xffff, v0  }
0x8a: {  	v0 =	vld [tilespmem:s15+$0x64E0]  }
0x8b: {  	[tilespmem:s15+$0xC800] =	vst.add.f32.msk $0xffff, v1  }
0x8c: {  	[tilespmem:s15+$0xC810] =	vst.add.f32.msk $0xffff, v2  }
0x8d: {  	[tilespmem:s15+$0xC820] =	vst.add.f32.msk $0xffff, v3  }
0x8e: {  	[tilespmem:s15+$0xC830] =	vst.add.f32.msk $0xffff, v4  }
0x8f: {  	[tilespmem:s15+$0xC840] =	vst.add.f32.msk $0xffff, v5  }
0x90: {  	[tilespmem:s15+$0xC850] =	vst.add.f32.msk $0xffff, v6  }
0x91: {  	[tilespmem:s15+$0xC860] =	vst.add.f32.msk $0xffff, v7  }
0x92: {  	[tilespmem:s15+$0xC870] =	vst.add.f32.msk $0xffff, v8  }
0x93: {  	[tilespmem:s15+$0xC880] =	vst.add.f32.msk $0xffff, v9  }
0x94: {  	[tilespmem:s15+$0xC890] =	vst.add.f32.msk $0xffff, v10  }
0x95: {  	[tilespmem:s15+$0xC8A0] =	vst.add.f32.msk $0xffff, v11  }
0x96: {  	[tilespmem:s15+$0xC8B0] =	vst.add.f32.msk $0xffff, v12  }
0x97: {  	[tilespmem:s15+$0xC8C0] =	vst.add.f32.msk $0xffff, v13  }
0x98: {  	s14 =	sor.u32 $0x1, s14;
	s17 =	simm.s32 $0x0;
	s18 =	simm.s32 $0x400;
	[tilespmem:s15+$0xC8D0] =	vst.add.f32.msk $0xffff, v14  }
.LBB2_5:
0x99: {  	s17 =	sadd.s32 $0x4, s17;
	[tilespmem:s15+$0xC8E0] =	vst.add.f32.msk $0xffff, v0;
	s15 =	sshra.s32 s18, $0x2  }
0x9a: {  	v0 =	vld [tilespmem:s15+$0x64F0];
	p0 =	slt.u32 s17, $0xC4  }
0x9b: {  	v1 =	vld [tilespmem:s15+$0x6400]  }
0x9c: {  	v2 =	vld [tilespmem:s15+$0x6410]  }
0x9d: {  	v3 =	vld [tilespmem:s15+$0x6420]  }
0x9e: {  	v4 =	vld [tilespmem:s15+$0x6430]  }
0x9f: {  	[tilespmem:s15+$0xC8F0] =	vst.add.f32.msk $0xffff, v0  }
0xa0: {  	v5 =	vld [tilespmem:s15+$0x6440]  }
0xa1: {  	v6 =	vld [tilespmem:s15+$0x6450]  }
0xa2: {  	v7 =	vld [tilespmem:s15+$0x6460]  }
0xa3: {  	v8 =	vld [tilespmem:s15+$0x6470]  }
0xa4: {  	v9 =	vld [tilespmem:s15+$0x6480]  }
0xa5: {  	v10 =	vld [tilespmem:s15+$0x6490]  }
0xa6: {  	v11 =	vld [tilespmem:s15+$0x64A0]  }
0xa7: {  	v12 =	vld [tilespmem:s15+$0x64B0]  }
0xa8: {  	v13 =	vld [tilespmem:s15+$0x64C0]  }
0xa9: {  	v14 =	vld [tilespmem:s15+$0x64D0]  }
0xaa: {  	v0 =	vld [tilespmem:s15+$0x64E0]  }
0xab: {  	[tilespmem:s15+$0xC800] =	vst.add.f32.msk $0xffff, v1  }
0xac: {  	[tilespmem:s15+$0xC810] =	vst.add.f32.msk $0xffff, v2  }
0xad: {  	[tilespmem:s15+$0xC820] =	vst.add.f32.msk $0xffff, v3  }
0xae: {  	[tilespmem:s15+$0xC830] =	vst.add.f32.msk $0xffff, v4  }
0xaf: {  	[tilespmem:s15+$0xC840] =	vst.add.f32.msk $0xffff, v5  }
0xb0: {  	[tilespmem:s15+$0xC850] =	vst.add.f32.msk $0xffff, v6  }
0xb1: {  	[tilespmem:s15+$0xC860] =	vst.add.f32.msk $0xffff, v7  }
0xb2: {  	[tilespmem:s15+$0xC870] =	vst.add.f32.msk $0xffff, v8  }
0xb3: {  	[tilespmem:s15+$0xC880] =	vst.add.f32.msk $0xffff, v9  }
.Ltmp1:
0xb4: {  	[tilespmem:s15+$0xC890] =	vst.add.f32.msk $0xffff, v10;
	(pc) =	sbr.rel @p0 .LBB2_5-.Ltmp1, $4  }
0xb5: {  	[tilespmem:s15+$0xC8A0] =	vst.add.f32.msk $0xffff, v11  }
0xb6: {  	[tilespmem:s15+$0xC8B0] =	vst.add.f32.msk $0xffff, v12  }
0xb7: {  	[tilespmem:s15+$0xC8C0] =	vst.add.f32.msk $0xffff, v13  }
0xb8: {  	s18 =	sadd.s32 $0x400, s18;
	[tilespmem:s15+$0xC8D0] =	vst.add.f32.msk $0xffff, v14  }
0xb9: {  	s14 =	sadd.s32 s3, s14  }
0xba: {  	s14 =	smul.u32 $0xC80, s14;
	_ =	sdelay $0x1  }
0xbb: {  	[tilespmem:s15+$0xC8E0] =	vst.add.f32.msk $0xffff, v0;
	p0 =	seq.s32 s0, $0x1F;
	s14 =	sadd.s32 s6, s14  }
0xbc: {  	[hbm4b:s14+s22] =	stream.strided.scatter [tilespmem:s16], [sflag:$0x6], $0x3200, s11, s22, $0x38;
	[tilespmem:$0x15E00] =	vst v63  }
0xbd: {  	s14 =	simm.s32 @!p0 $0x5  }
0xbe: {  	s15 =	smul.u32 @!p0 $0xC80, s0;
	_ =	swait.ge @!p0 [sflag:s14], $0x3200  }
0xbf: {  	[sflag:s14] =	ssyncset.done @!p0 $0x0  }
0xc0: {  	[sflag:s14] =	ssyncadd.s32 @!p0 $0xFFFFCE00;
	s14 =	sshra.s32 @!p0 s15, $0x2  }
0xc1: {  	s17 =	simm.s32 @!p0 $0x80;
	s18 =	simm.s32 @!p0 $0x9600;
	s15 =	sadd.s32 @!p0 $0x320, s14  }
0xc2: {  	[tilespmem:s18], [sflag:$0x1] =	stream.indirect.gather @!p0 [hbm4b:s4+s17], $0x40, s15, s17, $0xb8;
	[tilespmem:$0x15E00] =	vst v63  }
0xc3: {  	s15 =	sadd.s32 @!p0 $0x3A0, s14;
	s17 =	simm.s32 @!p0 $0x48;
	s18 =	simm.s32 @!p0 $0xB600  }
0xc4: {  	[tilespmem:s18], [sflag:$0x1] =	stream.indirect.gather @!p0 [hbm4b:s4+s17], $0x40, s15, s17, $0xb8;
	[tilespmem:$0x15E00] =	vst v63  }
0xc5: {  	_ =	swait.ge [sflag:s26], $0x2000  }
0xc6: {  	[sflag:s26] =	ssyncset.done $0x0  }
0xc7: {  	[sflag:s26] =	ssyncadd.s32 $0xFFFFE000  }
0xc8: {  	_ =	swait.ge [sflag:s26], $0x1200  }
0xc9: {  	[sflag:s26] =	ssyncset.done $0x0  }
0xca: {  	s15 =	simm.s32 $0x0;
	[sflag:s26] =	ssyncadd.s32 $0xFFFFEE00  }
0xcb: {  	v0 =	vld [tilespmem:s15+$0x64F0]  }
0xcc: {  	v1 =	vld [tilespmem:s15+$0x6400]  }
0xcd: {  	v2 =	vld [tilespmem:s15+$0x6410]  }
0xce: {  	v3 =	vld [tilespmem:s15+$0x6420]  }
0xcf: {  	v4 =	vld [tilespmem:s15+$0x6430]  }
0xd0: {  	v5 =	vld [tilespmem:s15+$0x6440]  }
0xd1: {  	v6 =	vld [tilespmem:s15+$0x6450]  }
0xd2: {  	v7 =	vld [tilespmem:s15+$0x6460]  }
0xd3: {  	v8 =	vld [tilespmem:s15+$0x6470]  }
0xd4: {  	v9 =	vld [tilespmem:s15+$0x6480]  }
0xd5: {  	v10 =	vld [tilespmem:s15+$0x6490]  }
0xd6: {  	v11 =	vld [tilespmem:s15+$0x64A0]  }
0xd7: {  	v12 =	vld [tilespmem:s15+$0x64B0]  }
0xd8: {  	v13 =	vld [tilespmem:s15+$0x64C0]  }
0xd9: {  	v14 =	vld [tilespmem:s15+$0x64D0]  }
0xda: {  	[tilespmem:s15+$0xFAF0] =	vst.add.f32.msk $0xffff, v0  }
0xdb: {  	v0 =	vld [tilespmem:s15+$0x64E0]  }
0xdc: {  	[tilespmem:s15+$0xFA00] =	vst.add.f32.msk $0xffff, v1  }
0xdd: {  	[tilespmem:s15+$0xFA10] =	vst.add.f32.msk $0xffff, v2  }
0xde: {  	[tilespmem:s15+$0xFA20] =	vst.add.f32.msk $0xffff, v3  }
0xdf: {  	[tilespmem:s15+$0xFA30] =	vst.add.f32.msk $0xffff, v4  }
0xe0: {  	[tilespmem:s15+$0xFA40] =	vst.add.f32.msk $0xffff, v5  }
0xe1: {  	[tilespmem:s15+$0xFA50] =	vst.add.f32.msk $0xffff, v6  }
0xe2: {  	[tilespmem:s15+$0xFA60] =	vst.add.f32.msk $0xffff, v7  }
0xe3: {  	[tilespmem:s15+$0xFA70] =	vst.add.f32.msk $0xffff, v8  }
0xe4: {  	[tilespmem:s15+$0xFA80] =	vst.add.f32.msk $0xffff, v9  }
0xe5: {  	[tilespmem:s15+$0xFA90] =	vst.add.f32.msk $0xffff, v10  }
0xe6: {  	[tilespmem:s15+$0xFAA0] =	vst.add.f32.msk $0xffff, v11  }
0xe7: {  	[tilespmem:s15+$0xFAB0] =	vst.add.f32.msk $0xffff, v12  }
0xe8: {  	[tilespmem:s15+$0xFAC0] =	vst.add.f32.msk $0xffff, v13  }
0xe9: {  	s17 =	simm.s32 $0x0;
	s18 =	simm.s32 $0x400;
	[tilespmem:s15+$0xFAD0] =	vst.add.f32.msk $0xffff, v14  }
.LBB2_7:
0xea: {  	s17 =	sadd.s32 $0x4, s17;
	[tilespmem:s15+$0xFAE0] =	vst.add.f32.msk $0xffff, v0;
	s15 =	sshra.s32 s18, $0x2  }
0xeb: {  	v0 =	vld [tilespmem:s15+$0x64F0];
	p1 =	slt.u32 s17, $0xC4  }
0xec: {  	v1 =	vld [tilespmem:s15+$0x6400]  }
0xed: {  	v2 =	vld [tilespmem:s15+$0x6410]  }
0xee: {  	v3 =	vld [tilespmem:s15+$0x6420]  }
0xef: {  	v4 =	vld [tilespmem:s15+$0x6430]  }
0xf0: {  	[tilespmem:s15+$0xFAF0] =	vst.add.f32.msk $0xffff, v0  }
0xf1: {  	v5 =	vld [tilespmem:s15+$0x6440]  }
0xf2: {  	v6 =	vld [tilespmem:s15+$0x6450]  }
0xf3: {  	v7 =	vld [tilespmem:s15+$0x6460]  }
0xf4: {  	v8 =	vld [tilespmem:s15+$0x6470]  }
0xf5: {  	v9 =	vld [tilespmem:s15+$0x6480]  }
0xf6: {  	v10 =	vld [tilespmem:s15+$0x6490]  }
0xf7: {  	v11 =	vld [tilespmem:s15+$0x64A0]  }
0xf8: {  	v12 =	vld [tilespmem:s15+$0x64B0]  }
0xf9: {  	v13 =	vld [tilespmem:s15+$0x64C0]  }
0xfa: {  	v14 =	vld [tilespmem:s15+$0x64D0]  }
0xfb: {  	v0 =	vld [tilespmem:s15+$0x64E0]  }
0xfc: {  	[tilespmem:s15+$0xFA00] =	vst.add.f32.msk $0xffff, v1  }
0xfd: {  	[tilespmem:s15+$0xFA10] =	vst.add.f32.msk $0xffff, v2  }
0xfe: {  	[tilespmem:s15+$0xFA20] =	vst.add.f32.msk $0xffff, v3  }
0xff: {  	[tilespmem:s15+$0xFA30] =	vst.add.f32.msk $0xffff, v4  }
0x100: {  	[tilespmem:s15+$0xFA40] =	vst.add.f32.msk $0xffff, v5  }
0x101: {  	[tilespmem:s15+$0xFA50] =	vst.add.f32.msk $0xffff, v6  }
0x102: {  	[tilespmem:s15+$0xFA60] =	vst.add.f32.msk $0xffff, v7  }
0x103: {  	[tilespmem:s15+$0xFA70] =	vst.add.f32.msk $0xffff, v8  }
0x104: {  	[tilespmem:s15+$0xFA80] =	vst.add.f32.msk $0xffff, v9  }
.Ltmp2:
0x105: {  	[tilespmem:s15+$0xFA90] =	vst.add.f32.msk $0xffff, v10;
	(pc) =	sbr.rel @p1 .LBB2_7-.Ltmp2, $4  }
0x106: {  	[tilespmem:s15+$0xFAA0] =	vst.add.f32.msk $0xffff, v11  }
0x107: {  	[tilespmem:s15+$0xFAB0] =	vst.add.f32.msk $0xffff, v12  }
0x108: {  	[tilespmem:s15+$0xFAC0] =	vst.add.f32.msk $0xffff, v13  }
0x109: {  	s18 =	sadd.s32 $0x400, s18;
	[tilespmem:s15+$0xFAD0] =	vst.add.f32.msk $0xffff, v14  }
0x10a: {  	s10 =	sadd.s32 s3, s10  }
0x10b: {  	s10 =	smul.u32 $0xC80, s10;
	_ =	sdelay $0x1  }
0x10c: {  	[tilespmem:s15+$0xFAE0] =	vst.add.f32.msk $0xffff, v0;
	s10 =	sadd.s32 s6, s10  }
0x10d: {  	[hbm4b:s10+s22] =	stream.strided.scatter [tilespmem:s19], [sflag:$0x7], $0x3200, s11, s22, $0x38;
	[tilespmem:$0x15E00] =	vst v63  }
0x10e: {  	s10 =	simm.s32 @!p0 $0x6  }
0x10f: {  	_ =	swait.ge @!p0 [sflag:s10], $0x3200  }
0x110: {  	s15 =	simm.s32 @!p0 $0x80;
	[sflag:s10] =	ssyncset.done @!p0 $0x0  }
0x111: {  	s17 =	simm.s32 @!p0 $0xC800;
	[sflag:s10] =	ssyncadd.s32 @!p0 $0xFFFFCE00;
	s10 =	sadd.s32 @!p0 $0x3E8, s14  }
0x112: {  	[tilespmem:s17], [sflag:$0x2] =	stream.indirect.gather @!p0 [hbm4b:s4+s15], $0x40, s10, s15, $0xb8;
	[tilespmem:$0x15E00] =	vst v63  }
0x113: {  	s10 =	sadd.s32 @!p0 $0x468, s14;
	s14 =	simm.s32 @!p0 $0x48;
	s15 =	simm.s32 @!p0 $0xE800  }
0x114: {  	[tilespmem:s15], [sflag:$0x2] =	stream.indirect.gather @!p0 [hbm4b:s4+s14], $0x40, s10, s14, $0xb8;
	[tilespmem:$0x15E00] =	vst v63  }
0x115: {  	_ =	swait.ge [sflag:s28], $0x2000  }
0x116: {  	[sflag:s28] =	ssyncset.done $0x0  }
0x117: {  	[sflag:s28] =	ssyncadd.s32 $0xFFFFE000  }
0x118: {  	_ =	swait.ge [sflag:s28], $0x1200  }
0x119: {  	[sflag:s28] =	ssyncset.done $0x0  }
0x11a: {  	s10 =	simm.s32 $0x0;
	[sflag:s28] =	ssyncadd.s32 $0xFFFFEE00  }
0x11b: {  	v0 =	vld [tilespmem:s10+$0x64F0]  }
0x11c: {  	v1 =	vld [tilespmem:s10+$0x6400]  }
0x11d: {  	v2 =	vld [tilespmem:s10+$0x6410]  }
0x11e: {  	v3 =	vld [tilespmem:s10+$0x6420]  }
0x11f: {  	v4 =	vld [tilespmem:s10+$0x6430]  }
0x120: {  	v5 =	vld [tilespmem:s10+$0x6440]  }
0x121: {  	v6 =	vld [tilespmem:s10+$0x6450]  }
0x122: {  	v7 =	vld [tilespmem:s10+$0x6460]  }
0x123: {  	v8 =	vld [tilespmem:s10+$0x6470]  }
0x124: {  	v9 =	vld [tilespmem:s10+$0x6480]  }
0x125: {  	v10 =	vld [tilespmem:s10+$0x6490]  }
0x126: {  	v11 =	vld [tilespmem:s10+$0x64A0]  }
0x127: {  	v12 =	vld [tilespmem:s10+$0x64B0]  }
0x128: {  	v13 =	vld [tilespmem:s10+$0x64C0]  }
0x129: {  	v14 =	vld [tilespmem:s10+$0x64D0]  }
0x12a: {  	[tilespmem:s10+$0x12CF0] =	vst.add.f32.msk $0xffff, v0  }
0x12b: {  	v0 =	vld [tilespmem:s10+$0x64E0]  }
0x12c: {  	[tilespmem:s10+$0x12C00] =	vst.add.f32.msk $0xffff, v1  }
0x12d: {  	[tilespmem:s10+$0x12C10] =	vst.add.f32.msk $0xffff, v2  }
0x12e: {  	[tilespmem:s10+$0x12C20] =	vst.add.f32.msk $0xffff, v3  }
0x12f: {  	[tilespmem:s10+$0x12C30] =	vst.add.f32.msk $0xffff, v4  }
0x130: {  	[tilespmem:s10+$0x12C40] =	vst.add.f32.msk $0xffff, v5  }
0x131: {  	[tilespmem:s10+$0x12C50] =	vst.add.f32.msk $0xffff, v6  }
0x132: {  	[tilespmem:s10+$0x12C60] =	vst.add.f32.msk $0xffff, v7  }
0x133: {  	[tilespmem:s10+$0x12C70] =	vst.add.f32.msk $0xffff, v8  }
0x134: {  	[tilespmem:s10+$0x12C80] =	vst.add.f32.msk $0xffff, v9  }
0x135: {  	[tilespmem:s10+$0x12C90] =	vst.add.f32.msk $0xffff, v10  }
0x136: {  	[tilespmem:s10+$0x12CA0] =	vst.add.f32.msk $0xffff, v11  }
0x137: {  	[tilespmem:s10+$0x12CB0] =	vst.add.f32.msk $0xffff, v12  }
0x138: {  	[tilespmem:s10+$0x12CC0] =	vst.add.f32.msk $0xffff, v13  }
0x139: {  	s14 =	simm.s32 $0x0;
	s15 =	simm.s32 $0x400;
	[tilespmem:s10+$0x12CD0] =	vst.add.f32.msk $0xffff, v14  }
.LBB2_9:
0x13a: {  	s14 =	sadd.s32 $0x4, s14;
	[tilespmem:s10+$0x12CE0] =	vst.add.f32.msk $0xffff, v0;
	s10 =	sshra.s32 s15, $0x2  }
0x13b: {  	v0 =	vld [tilespmem:s10+$0x64F0];
	p0 =	slt.u32 s14, $0xC4  }
0x13c: {  	v1 =	vld [tilespmem:s10+$0x6400]  }
0x13d: {  	v2 =	vld [tilespmem:s10+$0x6410]  }
0x13e: {  	v3 =	vld [tilespmem:s10+$0x6420]  }
0x13f: {  	v4 =	vld [tilespmem:s10+$0x6430]  }
0x140: {  	[tilespmem:s10+$0x12CF0] =	vst.add.f32.msk $0xffff, v0  }
0x141: {  	v5 =	vld [tilespmem:s10+$0x6440]  }
0x142: {  	v6 =	vld [tilespmem:s10+$0x6450]  }
0x143: {  	v7 =	vld [tilespmem:s10+$0x6460]  }
0x144: {  	v8 =	vld [tilespmem:s10+$0x6470]  }
0x145: {  	v9 =	vld [tilespmem:s10+$0x6480]  }
0x146: {  	v10 =	vld [tilespmem:s10+$0x6490]  }
0x147: {  	v11 =	vld [tilespmem:s10+$0x64A0]  }
0x148: {  	v12 =	vld [tilespmem:s10+$0x64B0]  }
0x149: {  	v13 =	vld [tilespmem:s10+$0x64C0]  }
0x14a: {  	v14 =	vld [tilespmem:s10+$0x64D0]  }
0x14b: {  	v0 =	vld [tilespmem:s10+$0x64E0]  }
0x14c: {  	[tilespmem:s10+$0x12C00] =	vst.add.f32.msk $0xffff, v1  }
0x14d: {  	[tilespmem:s10+$0x12C10] =	vst.add.f32.msk $0xffff, v2  }
0x14e: {  	[tilespmem:s10+$0x12C20] =	vst.add.f32.msk $0xffff, v3  }
0x14f: {  	[tilespmem:s10+$0x12C30] =	vst.add.f32.msk $0xffff, v4  }
0x150: {  	[tilespmem:s10+$0x12C40] =	vst.add.f32.msk $0xffff, v5  }
0x151: {  	[tilespmem:s10+$0x12C50] =	vst.add.f32.msk $0xffff, v6  }
0x152: {  	[tilespmem:s10+$0x12C60] =	vst.add.f32.msk $0xffff, v7  }
0x153: {  	[tilespmem:s10+$0x12C70] =	vst.add.f32.msk $0xffff, v8  }
0x154: {  	[tilespmem:s10+$0x12C80] =	vst.add.f32.msk $0xffff, v9  }
.Ltmp3:
0x155: {  	[tilespmem:s10+$0x12C90] =	vst.add.f32.msk $0xffff, v10;
	(pc) =	sbr.rel @p0 .LBB2_9-.Ltmp3, $4  }
0x156: {  	[tilespmem:s10+$0x12CA0] =	vst.add.f32.msk $0xffff, v11  }
0x157: {  	[tilespmem:s10+$0x12CB0] =	vst.add.f32.msk $0xffff, v12  }
0x158: {  	[tilespmem:s10+$0x12CC0] =	vst.add.f32.msk $0xffff, v13  }
0x159: {  	s15 =	sadd.s32 $0x400, s15;
	[tilespmem:s10+$0x12CD0] =	vst.add.f32.msk $0xffff, v14  }
0x15a: {  	s0 =	sadd.s32 $0x1, s0  }
0x15b: {  	p0 =	sne.s32 s0, $0x20  }
.Ltmp4:
0x15c: {  	s1 =	sadd.s32 s3, s1;
	(pc) =	sbr.rel @p0 .LBB2_2-.Ltmp4, $3  }
0x15d: {  	s1 =	smul.u32 $0xC80, s1;
	_ =	sdelay $0x1  }
0x15e: {  	[tilespmem:s10+$0x12CE0] =	vst.add.f32.msk $0xffff, v0;
	s1 =	sadd.s32 s6, s1  }
0x15f: {  	[hbm4b:s1+s22] =	stream.strided.scatter [tilespmem:s23], [sflag:$0x8], $0x3200, s11, s22, $0x38;
	[tilespmem:$0x15E00] =	vst v63  }
0x160: {  	s31 =	sadd.s32 $0x1, s31  }
0x161: {  	_ =	swait.ge [sflag:s29], $0x3200;
	p0 =	sne.s32 s31, s8  }
.Ltmp5:
0x162: {  	[sflag:s29] =	ssyncset.done $0x0;
	(pc) =	sbr.rel @p0 .LBB2_1-.Ltmp5, $4  }
0x163: {  	[sflag:s29] =	ssyncadd.s32 $0xFFFFCE00  }
0x164: {  	_ =	swait.ge [sflag:s30], $0x3200  }
0x165: {  	[sflag:s30] =	ssyncset.done $0x0  }
0x166: {  	[sflag:s30] =	ssyncadd.s32 $0xFFFFCE00  }
0x167: {  	_ =	sfence.sel $0x180000  }
0x168: {  	[bflag:$0x0] =	sbarrier.arrive $0xFFFF  }
0x169: {  	_ =	strace $0x9000004A  }
0x16a: {  	s0 =	stileid.u32;
	[bflag:$0x2] =	sbarrier.arrive $0xFFFF  }
0x16b: {  	p0 =	sne.s32 s0, $0x0;
	s0 =	rddreg [dreg:$0x2]  }
0x16c: {  	s0 =	sadd.s32 @!p0 $0x100000, s0  }
0x16d: {  	[sflag:s0] =	ssyncadd.tile.s32 @!p0 $0x1;
	_ =	shalt  }
.Lfunc_end2:
_tile_overlayer_lowered:
.L_overlay_start_2:
0x16e: {  	(tag) =	ssettag $0x2  }
0x16f: {  	s0 =	rddreg [dreg:$0x0];
	s2 =	stileid.u32  }
0x170: {  	s1 =	rddreg [dreg:$0x1];
	p0 =	sne.s32 s2, $0x0  }
0x171: {  	s3 =	rddreg [dreg:$0x2];
	[bflag:$0x3] =	sbarrier.arrive $0xFFFF;
	s2 =	simm.s32 @!p0 $0x1C09  }
0x172: {  	[timem:s3], [sflag:s2] =	dma.local @!p0 [hbm:s0], s1  }
0x173: {  	s0 =	simm.s32 @!p0 $0x9  }
0x174: {  	_ =	swait.ge @!p0 [sflag:s0], s1  }
0x175: {  	s1 =	ssub.s32 @!p0 $0x0, s1;
	[sflag:s0] =	ssyncset.done @!p0 $0x0  }
0x176: {  	[sflag:s0] =	ssyncadd.s32 @!p0 s1  }
0x177: {  	[bflag:$0x3] =	sbarrier.arrive $0xFFFF  }
0x178: {  	_ =	shalt  }

// kernel: sparse-core-data-format-call.1.cloned.1.call-start
scs
called_computation.1_lowered:
.L_overlay_start_0:
0x0: {  	s2 =	sld [smem:$0x3FD9]  }
0x1: {  	s3 =	sld [smem:$0x3FFE];
	_ =	sdelay $0x1  }
0x2: {  	s1 =	srdreg.scid  }
0x3: {  	s0 =	sand.u32 $0x1, s1  }
0x4: {  	s18 =	sshll.u32 s0, $0xA;
	s2 =	sadd.s32 s3, s2  }
0x5: {  	s2 =	sadd.s32 s2, s18  }
0x6: {  	[smem:$0x3FC5] =	sst s2  }
0x7: {  	_ = 	snop  }
0x8: {  	s2 =	sld [smem:$0x3FC8];
	(tm) =	ssettm $0x1  }
0x9: {  	s19 =	sld [smem:$0x3FFB];
	_ =	sdelay $0x3  }
0xa: {  	_ =	strace s19  }
0xb: {  	s3 =	sld [smem:$0x3FFC];
	_ =	sdelay $0x3  }
0xc: {  	_ =	strace s3  }
0xd: {  	s3 =	sld [smem:$0x3FFD];
	_ =	sdelay $0x3  }
0xe: {  	_ =	strace s3  }
0xf: {  	_ =	strace $0x8FFFFFFF  }
0x10: {  	s20 =	sld [smem:$0x3FDB];
	_ =	sdelay $0x1  }
0x11: {  	s4 =	simm.s32 $_scs_section_size  }
0x12: {  	s5 =	simm.s32 $_size__tile_overlayer_lowered;
	s6 =	simm.s32 $_tile_overlayer_lowered  }
0x13: {  	s23 =	simm.s32 $0x1BFF;
	s22 =	sshll.u32 s6, $0x1;
	s3 =	sadd.s32 s4, s20  }
0x14: {  	s7 =	simm.s32 $0x0;
	s21 =	sshll.u32 s5, $0x1;
	s5 =	sadd.s32 s22, s3  }
0x15: {  	[timem:s7], [sflag:s23] =	dma.local [hbm:s5], s21  }
0x16: {  	_ =	swait.ge [sflag:s23], s21  }
0x17: {  	s4 =	ssub.s32 $0x0, s21;
	[sflag:s23] =	ssyncset.done $0x0  }
0x18: {  	[sflag:s23] =	ssyncadd.s32 s4;
	_ =	sdelay $0x1  }
0x19: {  	s24 =	simm.s32 $0x1B8B  }
0x1a: {  	_ =	swait.ge [sflag:s24], $0x1  }
0x1b: {  	[sflag:s24] =	ssyncset.done $0x0  }
0x1c: {  	s26 =	simm.s32 $0x1B8E;
	s25 =	sld [smem:$0x3FFE];
	[sflag:s24] =	ssyncadd.s32 $0xFFFFFFFF  }
0x1d: {  	s27 =	simm.s32 $execute0_lowered;
	[smem:$0x3FD2] =	sst s26  }
0x1e: {  	s5 =	sshll.u32 s27, $0x1;
	_ =	strace $0x80000046;
	[dreg:$0x1] =	wrdreg $0xFFFFFFFF  }
0x1f: {  	s28 =	simm.s32 $_size_execute0_lowered;
	s3 =	sadd.s32 s3, s5;
	[dreg:$0x0] =	wrdreg $0x0  }
0x20: {  	s5 =	sshll.u32 s28, $0x1;
	[dreg:$0x2] =	wrdreg s3  }
0x21: {  	[dreg:$0x3] =	wrdreg s5  }
0x22: {  	[dreg:$0x4] =	wrdreg $0xC0  }
0x23: {  	_ =	task [dreg:s7], $0x5FFFF  }
0x24: {  	[dreg:$0x1] =	wrdreg $0xFFFFFFFF  }
0x25: {  	[dreg:$0x0] =	wrdreg $0x60  }
0x26: {  	[dreg:$0x2] =	wrdreg s2  }
0x27: {  	[dreg:$0x3] =	wrdreg s25  }
0x28: {  	[dreg:$0x4] =	wrdreg $0x9  }
0x29: {  	_ =	task.clear_ibuf [dreg:s7], $0x5FFFF;
	_ =	strace $0x90000046  }
0x2a: {  	s29 =	simm.s32 $0x9;
	_ =	strace $0x80000048  }
0x2b: {  	_ =	swait.ge [sflag:s29], $0x1  }
0x2c: {  	[sflag:s29] =	ssyncadd.s32 $0xFFFFFFFF  }
0x2d: {  	_ =	strace $0x90000048  }
0x2e: {  	_ =	sfence  }
0x2f: {  	s30 =	sld [smem:$0x0];
	_ =	sdelay $0x2  }
0x30: {  	s31 =	sshll.u32 s1, $0xD;
	s1 =	sshrl.u32 s1, $0x2  }
0x31: {  	s3 =	sand.u32 $0x4000, s31;
	s1 =	sadd.s32 s1, s30  }
0x32: {  	s0 =	sor.u32 s3, s0;
	s1 =	sshll.u32 s1, $0x11  }
0x33: {  	s0 =	sor.u32 s1, s0  }
0x34: {  	s0 =	sadd.s32 $0x8F2B, s0  }
0x35: {  	[sflag:s0] =	ssyncadd.remote.s32 $0x1  }
0x36: {  	_ =	sfence.sel $0xFFFF  }
0x37: {  	[dreg:$0x0] =	wrdreg $0xFFFFFFFF;
	(pc) =	sbr.abs _section_cstart, $3  }
0x38: {  	[dreg:$0x1] =	wrdreg $0xFFFFFFFF  }
0x39: {  	_ =	task.clear_ibuf [dreg:s7], $0x2FFFF;
	_ =	strace $0x9FFFFFFF  }
0x3a: {  	(tm) =	ssettm $0x7FFFFFFF  }
0x3b: {  	_ =	shalt  }
tec
execute0_lowered:
.L_overlay_start_1:
0x0: {  	(tag) =	ssettag $0x1  }
0x1: {  	s0 =	srdreg.scid;
	s2 =	rddreg [dreg:$0x0]  }
0x2: {  	s5 =	rddreg [dreg:$0x1];
	s1 =	stileid.u32  }
0x3: {  	s4 =	simm.s32 $0x1;
	s6 =	simm.s32 $0x2;
	s15 =	simm.s32 $0x0  }
0x4: {  	p0 =	por $0x0, $0x0;
	s8 =	simm.s32 $0x80;
	s0 =	sshll.u32 s0, $0x4  }
0x5: {  	s14 =	simm.s32 $0x0;
	s9 =	simm.s32 $0x0;
	s3 =	sand.u32 $0x10, s0  }
.Ltmp0:
0x6: {  	s10 =	simm.s32 $0x0;
	s3 =	sor.u32 s1, s3;
	(pc) =	sbr.rel .LBB1_1-.Ltmp0, $4  }
0x7: {  	s0 =	rddreg [dreg:$0x2];
	_ =	strace $0x80000047;
	s3 =	sshll.u32 s3, $0x7  }
0x8: {  	s12 =	simm.s32 $0x0;
	[sflag:s4] =	ssyncpa.u1 $0x0;
	s7 =	ssub.s32 $0xF4200, s3  }
0x9: {  	s13 =	simm.s32 $0x0;
	[sflag:s6] =	ssyncpa.u1 $0x0;
	s6 =	sshrl.u32 s7, $0xC  }
0xa: {  	s5 =	sadd.s32 $0x1000, s5;
	s11 =	smov.u32 s3;
	s7 =	sadd.s32 $0x2, s6  }
.LBB1_5:
0xb: {  	p1 =	slt.u32 s13, $0x2  }
0xc: {  	s17 =	smov.u32 s15;
	p2 =	sgt.s32 @!p1 s15, $0xF41C0;
	s16 =	sshra.s32 @!p1 s15, $0x1F  }
0xd: {  	p3 =	sgt.s32 @!p1 s14, $0x40;
	s18 =	sshra.s32 @!p1 s14, $0x1F;
	p2 =	por !p2, p1  }
0xe: {  	s15 =	sand.u32 @!p1 s16, s15;
	p3 =	por !p3, p1;
	s16 =	smov.u32 s14  }
0xf: {  	s14 =	sand.u32 @!p1 s18, s14;
	s17 =	simm.s32 @p2 $0xF41C0;
	s16 =	simm.s32 @p3 $0x40  }
0x10: {  	s15 =	ssub.s32 @!p1 s17, s15;
	s14 =	ssub.s32 @!p1 s16, s14  }
0x11: {  	s18 =	smov.u32 s12;
	s16 =	sadd.s32 @!p1 $0xFFF0BE40, s15;
	s17 =	sadd.s32 @!p1 $0xFFFFFFC0, s14  }
0x12: {  	s15 =	ssub.s32 @!p1 $0xF4240, s15;
	p2 =	sgt.s32 @!p1 s16, $0x7F;
	p3 =	sgt.s32 @!p1 s17, $0x3F  }
0x13: {  	s14 =	ssub.s32 @!p1 $0x80, s14;
	p2 =	por !p2, p1;
	p3 =	por !p3, p1  }
0x14: {  	s16 =	sadd.s32 $0x1000, s11;
	s15 =	simm.s32 @!p2 $0x0;
	s14 =	simm.s32 @!p3 $0x0  }
0x15: {  	p2 =	sgt.s32 s16, $0xF423F;
	s14 =	smul.u32 @!p1 s14, s15;
	s15 =	sadd.s32 $0x40, s12  }
0x16: {  	s18 =	smov.u32 @p2 s15  }
0x17: {  	s16 =	smov.u32 @p2 s3;
	p2 =	sgt.s32 s18, $0x3F  }
0x18: {  	s18 =	simm.s32 @p2 $0x0;
	p2 =	sne.s32 s13, s7  }
.Ltmp1:
0x19: {  	p0 =	por !p0, !p0;
	s17 =	simm.s32 @!p1 $0x2;
	(pc) =	sbr.rel @!p2 .LBB1_6-.Ltmp1, $4  }
0x1a: {  	s15 =	smov.u32 s9;
	s9 =	smov.u32 s11;
	s14 =	sand.u32 @!p1 $0x3FFFFFFF, s14  }
0x1b: {  	s11 =	smov.u32 s16;
	_ =	swait.ge @!p1 [sflag:s17], s14;
	s19 =	ssub.s32 @!p1 $0x0, s14  }
0x1c: {  	s14 =	smov.u32 s10;
	s13 =	sadd.s32 $0x1, s13;
	[sflag:s17] =	ssyncset.done @!p1 $0x0  }
0x1d: {  	s10 =	smov.u32 s12;
	s12 =	smov.u32 s18;
	[sflag:s17] =	ssyncadd.s32 @!p1 s19  }
.LBB1_1:
0x1e: {  	p1 =	sgt.u32 s13, s6  }
0x1f: {  	s16 =	sshrl.u32 @!p1 s12, $0x3  }
0x20: {  	s17 =	sshll.u32 @!p1 s11, $0x3;
	s16 =	smul.u32 @!p1 $0x7A1400, s16  }
0x21: {  	s18 =	sshll.u32 @!p1 s12, $0x7;
	s17 =	sand.u32 @!p1 $0xFFFFFC00, s17  }
0x22: {  	s16 =	sadd.s32 @!p1 s16, s17;
	s17 =	sand.u32 @!p1 $0x380, s18  }
0x23: {  	s18 =	sand.u32 @!p1 $0x7F, s11;
	s16 =	sor.u32 @!p1 s17, s16  }
0x24: {  	s17 =	sor.u32 @!p1 s18, s16  }
0x25: {  	s18 =	smulhi.u32 @!p1 $0x218D6287, s17;
	_ =	sdelay $0x1  }
0x26: {  	s16 =	smulhi.u32 @!p1 $0x218D6287, s16;
	s18 =	sshrl.u32 @!p1 s18, $0x11  }
0x27: {  	s18 =	smul.u32 @!p1 $0xF4280, s18  }
0x28: {  	s19 =	sxor.u32 @!p1 $0xFFFFFFFF, s13;
	s16 =	sshrl.u32 @!p1 s16, $0x11  }
0x29: {  	s19 =	sshll.u32 @!p1 s19, $0xD;
	s16 =	sand.u32 @!p1 $0x3F, s16;
	s17 =	ssub.s32 @!p1 s17, s18  }
0x2a: {  	s16 =	smul.u32 @!p1 $0x1E850, s16;
	s18 =	sshrl.u32 @!p1 s17, $0x3;
	s17 =	sand.u32 @!p1 $0x7, s17  }
0x2b: {  	s19 =	sand.u32 @!p1 $0x2000, s19;
	s18 =	sadd.s32 @!p1 s2, s18;
	s17 =	sshll.u32 @!p1 s17, $0x12  }
0x2c: {  	s16 =	sadd.s32 @!p1 s16, s18;
	s17 =	sor.u32 @!p1 $0x400, s17;
	s18 =	simm.s32 @!p1 $0x7A1400  }
0x2d: {  	[tilespmem:s19], [sflag:$0x1] =	stream.strided.gather @!p1 [hbm4b:s16+s17], $0x2000, s18, s17, $0x38;
	[tilespmem:$0x8100] =	vst v63  }
0x2e: {  	p1 =	seq.s32 s13, $0x0  }
0x2f: {  	p2 =	sge.u32 @!p1 s13, s7  }
0x30: {  	p1 =	por p1, p2  }
.Ltmp2:
0x31: {  	_ = 	snop;
	(pc) =	sbr.rel @p1 .LBB1_5-.Ltmp2, $1  }
0x32: {  	_ =	sdelay $0x3  }
0x33: {  	s16 =	simm.s32 $0x1  }
0x34: {  	_ =	swait.ge [sflag:s4], $0x2000;
	s16 =	simm.s32 @!p0 $0x0  }
0x35: {  	[sflag:s4] =	ssyncset.done $0x0;
	s17 =	sshll.u32 s16, $0xD  }
0x36: {  	[sflag:s4] =	ssyncadd.s32 $0xFFFFE000;
	s17 =	sor.u32 $0x40, s17  }
0x37: {  	s16 =	smul.u32 $0x8200, s16;
	v0 =	vld [tilespmem:s17+$0x30]  }
0x38: {  	v1 =	vld [tilespmem:s17+$0xFFFFFFD0]  }
0x39: {  	s16 =	sshrl.u32 s16, $0x2;
	v5 =	vld [tilespmem:s17+$0xFFFFFFE0]  }
0x3a: {  	v6 =	vld [tilespmem:s17+$0xFFFFFFF0];
	s19 =	sor.u32 $0x4000, s16  }
0x3b: {  	s31 =	sand.u32 $0x1, s13;
	v4 =	vld [tilespmem:s17+$0x0];
	s18 =	sadd.s32 $0x0, s19  }
0x3c: {  	v3 =	vld [tilespmem:s17+$0x10];
	s16 =	smul.u32 $0x8200, s31;
	[tilespmem:s18+$0x1C70 ss:$0x41] =	vst.msk $0xffff, v0  }
0x3d: {  	v2 =	vld [tilespmem:s17+$0x20];
	[tilespmem:s18+$0x410 ss:$0x41] =	vst.msk $0xffff, v1  }
0x3e: {  	s16 =	sshrl.u32 s16, $0x2;
	v1 =	vld [tilespmem:s17+$0xFFFFFFC0];
	[tilespmem:s18+$0x820 ss:$0x41] =	vst.msk $0xffff, v5;
	s17 =	sadd.s32 $0x80, s17  }
0x3f: {  	s20 =	simm.s32 $0x4;
	s21 =	simm.s32 $0x8;
	s16 =	sor.u32 $0x4000, s16;
	[tilespmem:s18+$0xC30 ss:$0x41] =	vst.msk $0xffff, v6;
	v0 =	vld [tilespmem:s17+$0x30]  }
.LBB1_3:
0x40: {  	p1 =	sne.s32 s21, $0xFC;
	v5 =	vld [tilespmem:s17+$0xFFFFFFD0];
	[tilespmem:s18+$0x1040 ss:$0x41] =	vst.msk $0xffff, v4  }
0x41: {  	v6 =	vld [tilespmem:s17+$0xFFFFFFE0];
	[tilespmem:s18+$0x1450 ss:$0x41] =	vst.msk $0xffff, v3  }
0x42: {  	s22 =	sshra.s32 s20, $0x2;
	s20 =	smov.u32 s21;
	v7 =	vld [tilespmem:s17+$0xFFFFFFF0];
	[tilespmem:s18+$0x1860 ss:$0x41] =	vst.msk $0xffff, v2  }
.Ltmp3:
0x43: {  	v4 =	vld [tilespmem:s17+$0x0];
	[tilespmem:s18+$0x0 ss:$0x41] =	vst.msk $0xffff, v1;
	s18 =	sadd.s32 s22, s19;
	(pc) =	sbr.rel @p1 .LBB1_3-.Ltmp3, $4  }
0x44: {  	v3 =	vld [tilespmem:s17+$0x10];
	[tilespmem:s18+$0x1C70 ss:$0x41] =	vst.msk $0xffff, v0  }
0x45: {  	[tilespmem:s18+$0x410 ss:$0x41] =	vst.msk $0xffff, v5;
	v2 =	vld [tilespmem:s17+$0x20]  }
0x46: {  	v1 =	vld [tilespmem:s17+$0xFFFFFFC0];
	[tilespmem:s18+$0x820 ss:$0x41] =	vst.msk $0xffff, v6;
	s17 =	sadd.s32 $0x80, s17  }
0x47: {  	s21 =	sadd.s32 $0x4, s21;
	v0 =	vld [tilespmem:s17+$0x30];
	[tilespmem:s18+$0xC30 ss:$0x41] =	vst.msk $0xffff, v7  }
0x48: {  	s21 =	sshll.u32 s9, $0x7;
	s22 =	sshll.u32 s10, $0x3;
	s20 =	sshra.s32 s20, $0x2  }
0x49: {  	p1 =	sgt.s32 s9, $0xF41C0;
	s30 =	sshra.s32 s9, $0x1F;
	s25 =	sshra.s32 s10, $0x1F  }
0x4a: {  	v5 =	vld [tilespmem:s17+$0xFFFFFFD0];
	s28 =	sshrl.u32 s10, $0x3;
	s23 =	sand.u32 $0xFFFFFC00, s21;
	s22 =	sand.u32 $0xFFFFFC00, s22  }
0x4b: {  	[tilespmem:s18+$0x1040 ss:$0x41] =	vst.msk $0xffff, v4;
	v58 =	vld [tilespmem:s17+$0xFFFFFFE0];
	s21 =	sand.u32 $0x380, s21;
	s19 =	sadd.s32 s20, s19;
	s22 =	sadd.s32 s22, s23  }
0x4c: {  	v59 =	vld [tilespmem:s17+$0xFFFFFFF0];
	[tilespmem:s18+$0x1450 ss:$0x41] =	vst.msk $0xffff, v3;
	s29 =	sor.u32 s21, s22;
	s21 =	smov.u32 s9;
	s22 =	sand.u32 s30, s9  }
0x4d: {  	v60 =	vld [tilespmem:s17+$0x0];
	[tilespmem:s18+$0x1860 ss:$0x41] =	vst.msk $0xffff, v2;
	s30 =	sand.u32 $0x7, s10;
	s20 =	sshrl.u32 s29, $0x7;
	s21 =	simm.s32 @!p1 $0xF41C0  }
0x4e: {  	v61 =	vld [tilespmem:s17+$0x10];
	[tilespmem:s18+$0x0 ss:$0x41] =	vst.msk $0xffff, v1;
	p1 =	sgt.s32 s10, $0x40;
	s24 =	ssub.s32 s21, s22;
	s21 =	smov.u32 s10  }
0x4f: {  	v62 =	vld [tilespmem:s17+$0x20];
	[tilespmem:s19+$0x1C70 ss:$0x41] =	vst.msk $0xffff, v0;
	s31 =	smulhi.u32 $0x218DEF5, s20;
	s22 =	sand.u32 s25, s10;
	s21 =	simm.s32 @!p1 $0x40  }
0x50: {  	v63 =	vld [tilespmem:s17+$0xFFFFFFC0];
	[tilespmem:s19+$0x410 ss:$0x41] =	vst.msk $0xffff, v5;
	s26 =	sadd.s32 $0xFFF0BE40, s24;
	s17 =	ssub.s32 $0xF4240, s24;
	s21 =	ssub.s32 s21, s22  }
0x51: {  	[tilespmem:s19+$0x820 ss:$0x41] =	vst.msk $0xffff, v58;
	s23 =	sshrl.u32 s31, $0xD;
	p1 =	sgt.s32 s26, $0x7F;
	s27 =	sadd.s32 $0xFFFFFFC0, s21  }
0x52: {  	[tilespmem:s19+$0xC30 ss:$0x41] =	vst.msk $0xffff, v59;
	s23 =	smul.u32 $0xF4240, s23;
	s18 =	ssub.s32 $0x80, s21;
	p2 =	sgt.s32 s27, $0x3F  }
.Ltmp4:
0x53: {  	[tilespmem:s19+$0x1040 ss:$0x41] =	vst.msk $0xffff, v60;
	s17 =	simm.s32 @p1 $0x0;
	s18 =	simm.s32 @p2 $0x0;
	(pc) =	sbr.rel .LBB1_5-.Ltmp4, $4  }
0x54: {  	s29 =	sand.u32 $0xF, s28;
	[tilespmem:s19+$0x1450 ss:$0x41] =	vst.msk $0xffff, v61;
	s20 =	ssub.s32 s20, s23;
	s17 =	smul.u32 s18, s17  }
0x55: {  	[tilespmem:s19+$0x1860 ss:$0x41] =	vst.msk $0xffff, v62;
	s21 =	sshll.u32 s30, $0x12;
	s20 =	sshll.u32 s20, $0x4;
	s18 =	sadd.s32 s5, s29  }
0x56: {  	[tilespmem:s19+$0x0 ss:$0x41] =	vst.msk $0xffff, v63;
	s31 =	sor.u32 $0x40, s21;
	s18 =	sadd.s32 s20, s18;
	s17 =	sand.u32 $0x3FFFFFFF, s17  }
0x57: {  	[hbm4b:s18+s31] =	stream.strided.scatter [tilespmem:s16], [sflag:$0x2], s17, s8, s31, $0x18;
	[tilespmem:$0x8100] =	vst v63  }
.LBB1_6:
0x58: {  	_ =	sfence.sel $0x180000  }
0x59: {  	s2 =	simm.s32 $0x1;
	[bflag:$0x0] =	sbarrier.arrive $0xFFFF  }
0x5a: {  	s31 =	simm.s32 $0x2;
	[sflag:s2] =	ssyncpa.u1 $0x1  }
0x5b: {  	[sflag:s31] =	ssyncpa.u1 $0x1  }
0x5c: {  	p0 =	sne.s32 s1, $0x0;
	_ =	strace $0x90000047  }
0x5d: {  	s0 =	sadd.s32 @!p0 $0x100000, s0;
	[bflag:$0x2] =	sbarrier.arrive $0xFFFF  }
0x5e: {  	[sflag:s0] =	ssyncadd.tile.s32 @!p0 $0x1;
	_ =	shalt  }
.Lfunc_end1:
_tile_overlayer_lowered:
.L_overlay_start_2:
0x5f: {  	(tag) =	ssettag $0x2  }
0x60: {  	s0 =	rddreg [dreg:$0x0];
	s2 =	stileid.u32  }
0x61: {  	s1 =	rddreg [dreg:$0x1];
	p0 =	sne.s32 s2, $0x0  }
0x62: {  	s3 =	rddreg [dreg:$0x2];
	[bflag:$0x3] =	sbarrier.arrive $0xFFFF;
	s2 =	simm.s32 @!p0 $0x1C01  }
0x63: {  	[timem:s3], [sflag:s2] =	dma.local @!p0 [hbm:s0], s1  }
0x64: {  	s0 =	simm.s32 @!p0 $0x1  }
0x65: {  	_ =	swait.ge @!p0 [sflag:s0], s1  }
0x66: {  	s1 =	ssub.s32 @!p0 $0x0, s1;
	[sflag:s0] =	ssyncset.done @!p0 $0x0  }
0x67: {  	[sflag:s0] =	ssyncadd.s32 @!p0 s1  }
0x68: {  	[bflag:$0x3] =	sbarrier.arrive $0xFFFF  }
0x69: {  	_ =	shalt  }

// kernel: sparse-core-data-format-call.cloned.1.call-start
scs
called_computation_lowered:
.L_overlay_start_0:
0x0: {  	s2 =	sld [smem:$0x3FD9]  }
0x1: {  	s3 =	sld [smem:$0x3FFE];
	_ =	sdelay $0x1  }
0x2: {  	s1 =	srdreg.scid  }
0x3: {  	s0 =	sand.u32 $0x1, s1  }
0x4: {  	s18 =	sshll.u32 s0, $0xA;
	s2 =	sadd.s32 s3, s2  }
0x5: {  	s2 =	sadd.s32 s2, s18  }
0x6: {  	[smem:$0x3FC5] =	sst s2  }
0x7: {  	_ = 	snop  }
0x8: {  	s2 =	sld [smem:$0x3FD0];
	(tm) =	ssettm $0x1  }
0x9: {  	s19 =	sld [smem:$0x3FFB];
	_ =	sdelay $0x3  }
0xa: {  	_ =	strace s19  }
0xb: {  	s3 =	sld [smem:$0x3FFC];
	_ =	sdelay $0x3  }
0xc: {  	_ =	strace s3  }
0xd: {  	s3 =	sld [smem:$0x3FFD];
	_ =	sdelay $0x3  }
0xe: {  	_ =	strace s3  }
0xf: {  	_ =	strace $0x8FFFFFFF  }
0x10: {  	s20 =	sld [smem:$0x3FDB];
	_ =	sdelay $0x1  }
0x11: {  	s4 =	simm.s32 $_scs_section_size  }
0x12: {  	s5 =	simm.s32 $_size__tile_overlayer_lowered;
	s6 =	simm.s32 $_tile_overlayer_lowered  }
0x13: {  	s23 =	simm.s32 $0x1BFF;
	s22 =	sshll.u32 s6, $0x1;
	s3 =	sadd.s32 s4, s20  }
0x14: {  	s7 =	simm.s32 $0x0;
	s21 =	sshll.u32 s5, $0x1;
	s5 =	sadd.s32 s22, s3  }
0x15: {  	[timem:s7], [sflag:s23] =	dma.local [hbm:s5], s21  }
0x16: {  	_ =	swait.ge [sflag:s23], s21  }
0x17: {  	s4 =	ssub.s32 $0x0, s21;
	[sflag:s23] =	ssyncset.done $0x0  }
0x18: {  	[sflag:s23] =	ssyncadd.s32 s4;
	_ =	sdelay $0x1  }
0x19: {  	s24 =	simm.s32 $0x1B8B  }
0x1a: {  	_ =	swait.ge [sflag:s24], $0x1  }
0x1b: {  	[sflag:s24] =	ssyncset.done $0x0  }
0x1c: {  	s26 =	simm.s32 $0x1B8E;
	s25 =	sld [smem:$0x3FFE];
	[sflag:s24] =	ssyncadd.s32 $0xFFFFFFFF  }
0x1d: {  	s27 =	simm.s32 $execute0_lowered;
	[smem:$0x3FD2] =	sst s26  }
0x1e: {  	s5 =	sshll.u32 s27, $0x1;
	_ =	strace $0x8000004C;
	[dreg:$0x1] =	wrdreg $0xFFFFFFFF  }
0x1f: {  	s28 =	simm.s32 $_size_execute0_lowered;
	s3 =	sadd.s32 s3, s5;
	[dreg:$0x0] =	wrdreg $0x0  }
0x20: {  	s5 =	sshll.u32 s28, $0x1;
	[dreg:$0x2] =	wrdreg s3  }
0x21: {  	[dreg:$0x3] =	wrdreg s5  }
0x22: {  	[dreg:$0x4] =	wrdreg $0xC0  }
0x23: {  	_ =	task [dreg:s7], $0x5FFFF  }
0x24: {  	[dreg:$0x1] =	wrdreg $0xFFFFFFFF  }
0x25: {  	[dreg:$0x0] =	wrdreg $0x60  }
0x26: {  	[dreg:$0x2] =	wrdreg s25  }
0x27: {  	[dreg:$0x3] =	wrdreg s2  }
0x28: {  	[dreg:$0x4] =	wrdreg $0x9  }
0x29: {  	_ =	task.clear_ibuf [dreg:s7], $0x5FFFF;
	_ =	strace $0x9000004C  }
0x2a: {  	s29 =	simm.s32 $0x9;
	_ =	strace $0x8000004E  }
0x2b: {  	_ =	swait.ge [sflag:s29], $0x1  }
0x2c: {  	[sflag:s29] =	ssyncadd.s32 $0xFFFFFFFF  }
0x2d: {  	_ =	strace $0x9000004E  }
0x2e: {  	_ =	sfence  }
0x2f: {  	s30 =	sld [smem:$0x0];
	_ =	sdelay $0x2  }
0x30: {  	s31 =	sshll.u32 s1, $0xD;
	s1 =	sshrl.u32 s1, $0x2  }
0x31: {  	s3 =	sand.u32 $0x4000, s31;
	s1 =	sadd.s32 s1, s30  }
0x32: {  	s0 =	sor.u32 s3, s0;
	s1 =	sshll.u32 s1, $0x11  }
0x33: {  	s0 =	sor.u32 s1, s0  }
0x34: {  	s0 =	sadd.s32 $0x8F2B, s0  }
0x35: {  	[sflag:s0] =	ssyncadd.remote.s32 $0x1  }
0x36: {  	_ =	sfence.sel $0xFFFF  }
0x37: {  	[dreg:$0x0] =	wrdreg $0xFFFFFFFF;
	(pc) =	sbr.abs _section_cstart, $3  }
0x38: {  	[dreg:$0x1] =	wrdreg $0xFFFFFFFF  }
0x39: {  	_ =	task.clear_ibuf [dreg:s7], $0x2FFFF;
	_ =	strace $0x9FFFFFFF  }
0x3a: {  	(tm) =	ssettm $0x7FFFFFFF  }
0x3b: {  	_ =	shalt  }
tec
execute0_lowered:
.L_overlay_start_1:
0x0: {  	(tag) =	ssettag $0x1  }
0x1: {  	s0 =	srdreg.scid  }
0x2: {  	s1 =	sshll.u32 s0, $0x4  }
0x3: {  	s0 =	stileid.u32;
	s1 =	sand.u32 $0x10, s1  }
0x4: {  	s1 =	sor.u32 s0, s1  }
0x5: {  	s6 =	rddreg [dreg:$0x0];
	s4 =	simm.s32 $0x1;
	s2 =	sshll.u32 s1, $0x7  }
0x6: {  	s7 =	simm.s32 $0x2;
	s12 =	simm.s32 $0x0;
	s1 =	ssub.s32 $0x1000, s2  }
0x7: {  	s8 =	simm.s32 $0x8000;
	s13 =	simm.s32 $0x0;
	s3 =	sand.u32 $0xF80, s1  }
0x8: {  	s9 =	simm.s32 $0x0;
	s5 =	sshrl.u32 s1, $0xC;
	p0 =	sne.s32 s3, $0x0  }
.Ltmp0:
0x9: {  	s1 =	rddreg [dreg:$0x2];
	s4 =	simm.s32 @!p0 $0x0;
	(pc) =	sbr.rel .LBB1_1-.Ltmp0, $4  }
0xa: {  	s11 =	simm.s32 $0x0;
	s3 =	rddreg [dreg:$0x1];
	s5 =	sadd.s32 s4, s5  }
0xb: {  	_ =	strace $0x8000004D;
	s4 =	simm.s32 $0x1;
	s5 =	smul.u32 $0xC8, s5  }
0xc: {  	s6 =	sadd.s32 $0x1000, s6;
	s10 =	smov.u32 s2;
	[sflag:s4] =	ssyncpa.u1 $0x0  }
0xd: {  	p0 =	por $0x0, $0x0;
	[sflag:s7] =	ssyncpa.u1 $0x0;
	s7 =	sor.u32 $0x1, s5  }
.LBB1_4:
0xe: {  	s16 =	sshll.u32 s13, $0x3;
	s17 =	sand.u32 $0x78, s13  }
0xf: {  	s30 =	sand.u32 $0x7E00, s13;
	s12 =	sshll.u32 s12, $0xF;
	s16 =	sand.u32 $0xC00, s16  }
0x10: {  	[tilespmem:s15+$0x810 ss:$0x81] =	vst.msk $0xffff, v2;
	s31 =	sand.u32 $0x7, s13;
	s16 =	sor.u32 s17, s16;
	s17 =	sadd.s32 s3, s30  }
0x11: {  	[tilespmem:s15+$0x1020 ss:$0x81] =	vst.msk $0xffff, v0;
	s13 =	sshll.u32 s31, $0x12;
	s12 =	sadd.s32 s12, s17;
	s16 =	sshrl.u32 s16, $0x3  }
0x12: {  	[tilespmem:s15+$0x0 ss:$0x81] =	vst.msk $0xffff, v1;
	s13 =	sor.u32 $0x400, s13;
	s12 =	sadd.s32 s16, s12  }
0x13: {  	[hbm4b:s12+s13] =	stream.strided.scatter [tilespmem:s14], [sflag:$0x2], $0x2000, s8, s13, $0x20;
	[tilespmem:$0x8080] =	vst v63  }
.LBB1_5:
0x14: {  	s14 =	sadd.s32 $0x1, s9  }
0x15: {  	s12 =	sadd.s32 $0x1000, s10;
	s16 =	smov.u32 s10;
	p2 =	sgt.s32 s14, $0xC7  }
0x16: {  	s16 =	smov.u32 @p2 s12  }
0x17: {  	s14 =	simm.s32 @p2 $0x0;
	p2 =	sgt.s32 s16, $0xFFF  }
0x18: {  	s16 =	smov.u32 @p2 s2;
	p2 =	sne.s32 s11, s7  }
.Ltmp1:
0x19: {  	p1 =	slt.u32 s11, $0x2;
	(pc) =	sbr.rel @!p2 .LBB1_6-.Ltmp1, $4  }
0x1a: {  	s15 =	simm.s32 @!p1 $0x2  }
0x1b: {  	s13 =	smov.u32 s10;
	p0 =	por !p0, !p0;
	_ =	swait.ge @!p1 [sflag:s15], $0x2000  }
0x1c: {  	s12 =	smov.u32 s9;
	[sflag:s15] =	ssyncset.done @!p1 $0x0;
	s9 =	smov.u32 s14  }
0x1d: {  	s11 =	sadd.s32 $0x1, s11;
	[sflag:s15] =	ssyncadd.s32 @!p1 $0xFFFFE000;
	s10 =	smov.u32 s16  }
.LBB1_1:
0x1e: {  	p1 =	sge.u32 s11, s5  }
0x1f: {  	s14 =	sand.u32 @!p1 $0x1FFFFFF, s9  }
0x20: {  	s15 =	smulhi.u32 @!p1 $0x147AE15, s14;
	_ =	sdelay $0x1  }
0x21: {  	s15 =	smul.u32 @!p1 $0xC8, s15  }
0x22: {  	s16 =	sxor.u32 @!p1 $0xFFFFFFFF, s11;
	s17 =	smul.u32 @!p1 $0xC80, s10  }
0x23: {  	s31 =	sadd.s32 $0xFFFFFFFF, s11;
	s16 =	sshll.u32 @!p1 s16, $0xD;
	s14 =	ssub.s32 @!p1 s14, s15  }
0x24: {  	s15 =	sand.u32 @!p1 $0x2000, s16;
	s16 =	sadd.s32 @!p1 s6, s17;
	s14 =	sshll.u32 @!p1 s14, $0x4  }
0x25: {  	s17 =	simm.s32 @!p1 $0x6400;
	s14 =	sadd.s32 @!p1 s14, s16;
	s16 =	simm.s32 @!p1 $0x40  }
0x26: {  	[tilespmem:s15], [sflag:$0x1] =	stream.strided.gather @!p1 [hbm4b:s14+s16], $0x2000, s17, s16, $0x38;
	[tilespmem:$0x8080] =	vst v63  }
0x27: {  	p1 =	sge.u32 s31, s5  }
.Ltmp2:
0x28: {  	_ = 	snop;
	(pc) =	sbr.rel @p1 .LBB1_5-.Ltmp2, $1  }
0x29: {  	_ =	sdelay $0x3  }
0x2a: {  	s14 =	simm.s32 $0x1  }
0x2b: {  	_ =	swait.ge [sflag:s4], $0x2000;
	s14 =	simm.s32 @!p0 $0x0  }
0x2c: {  	[sflag:s4] =	ssyncset.done $0x0;
	s15 =	sshll.u32 s14, $0xD  }
0x2d: {  	[sflag:s4] =	ssyncadd.s32 $0xFFFFE000;
	s18 =	sor.u32 $0x20, s15  }
0x2e: {  	s14 =	smul.u32 $0x8100, s14;
	v3 =	vld [tilespmem:s18+$0x10]  }
0x2f: {  	s30 =	sand.u32 $0x1, s11;
	v2 =	vld [tilespmem:s18+$0xFFFFFFF0]  }
0x30: {  	s15 =	smul.u32 $0x8100, s30;
	s14 =	sshrl.u32 s14, $0x2;
	v0 =	vld [tilespmem:s18+$0x0]  }
0x31: {  	v1 =	vld [tilespmem:s18+$0xFFFFFFE0];
	s16 =	sor.u32 $0x4000, s14  }
0x32: {  	s31 =	sshrl.u32 s15, $0x2;
	s15 =	sadd.s32 $0x0, s16  }
0x33: {  	s17 =	simm.s32 $0x4;
	s18 =	sadd.s32 $0x40, s18;
	s14 =	sor.u32 $0x4000, s31;
	[tilespmem:s15+$0x1830 ss:$0x81] =	vst.msk $0xffff, v3  }
.LBB1_3:
0x34: {  	v3 =	vld [tilespmem:s18+$0x10];
	p1 =	sne.s32 s17, $0x1FC;
	[tilespmem:s15+$0x810 ss:$0x81] =	vst.msk $0xffff, v2;
	s19 =	smov.u32 s17;
	s17 =	sadd.s32 $0x4, s17  }
.Ltmp3:
0x35: {  	v2 =	vld [tilespmem:s18+$0xFFFFFFF0];
	[tilespmem:s15+$0x1020 ss:$0x81] =	vst.msk $0xffff, v0;
	(pc) =	sbr.rel @p1 .LBB1_3-.Ltmp3, $4  }
0x36: {  	v0 =	vld [tilespmem:s18+$0x0];
	[tilespmem:s15+$0x0 ss:$0x81] =	vst.msk $0xffff, v1  }
0x37: {  	s15 =	sshra.s32 s19, $0x2;
	v1 =	vld [tilespmem:s18+$0xFFFFFFE0]  }
0x38: {  	s15 =	sadd.s32 s15, s16  }
0x39: {  	s18 =	sadd.s32 $0x40, s18;
	[tilespmem:s15+$0x1830 ss:$0x81] =	vst.msk $0xffff, v3  }
.Ltmp4:
0x3a: {  	_ = 	snop;
	(pc) =	sbr.rel .LBB1_4-.Ltmp4, $1  }
0x3b: {  	_ =	sdelay $0x3  }
.LBB1_6:
0x3c: {  	_ =	sfence.sel $0x180000  }
0x3d: {  	s2 =	simm.s32 $0x1;
	[bflag:$0x0] =	sbarrier.arrive $0xFFFF  }
0x3e: {  	s31 =	simm.s32 $0x2;
	[sflag:s2] =	ssyncpa.u1 $0x1  }
0x3f: {  	[sflag:s31] =	ssyncpa.u1 $0x1  }
0x40: {  	p0 =	sne.s32 s0, $0x0;
	_ =	strace $0x9000004D  }
0x41: {  	s0 =	sadd.s32 @!p0 $0x100000, s1;
	[bflag:$0x2] =	sbarrier.arrive $0xFFFF  }
0x42: {  	[sflag:s0] =	ssyncadd.tile.s32 @!p0 $0x1;
	_ =	shalt  }
.Lfunc_end1:
_tile_overlayer_lowered:
.L_overlay_start_2:
0x43: {  	(tag) =	ssettag $0x2  }
0x44: {  	s0 =	rddreg [dreg:$0x0];
	s2 =	stileid.u32  }
0x45: {  	s1 =	rddreg [dreg:$0x1];
	p0 =	sne.s32 s2, $0x0  }
0x46: {  	s3 =	rddreg [dreg:$0x2];
	[bflag:$0x3] =	sbarrier.arrive $0xFFFF;
	s2 =	simm.s32 @!p0 $0x1C01  }
0x47: {  	[timem:s3], [sflag:s2] =	dma.local @!p0 [hbm:s0], s1  }
0x48: {  	s0 =	simm.s32 @!p0 $0x1  }
0x49: {  	_ =	swait.ge @!p0 [sflag:s0], s1  }
0x4a: {  	s1 =	ssub.s32 @!p0 $0x0, s1;
	[sflag:s0] =	ssyncset.done @!p0 $0x0  }
0x4b: {  	[sflag:s0] =	ssyncadd.s32 @!p0 s1  }
0x4c: {  	[bflag:$0x3] =	sbarrier.arrive $0xFFFF  }
0x4d: {  	_ =	shalt  }

</sc_bundles>
